<compile_context>
chip_gen: v7x
topology: tpu7x:2x2x1
jax: 0.10.2.dev20260603
libtpu: 0.0.44.dev20260713+nightly
codegen_flags: <defaults>
</compile_context>

<pallas_src>
import functools

import jax
import jax.numpy as jnp
import numpy as np
from jax import lax
from jax.experimental import pallas as pl
from jax.experimental.pallas import tpu as pltpu
from jax.experimental.pallas import tpu_sc as plsc

_VOCAB_SIZE = 128
_PATCH_SIZE = 16
_LANES = 16

_ROT_A = (13, 15, 26, 6)
_ROT_B = (17, 29, 16, 24)
_PARITY = np.uint32(0x1BD11BDA)


def _np_rotl(x, r):
    return ((x << np.uint32(r)) | (x >> np.uint32(32 - r))).astype(np.uint32)


def _np_threefry2x32(k0, k1, x0, x1):
    ks = [np.uint32(k0), np.uint32(k1),
          np.uint32(np.uint32(k0) ^ np.uint32(k1) ^ _PARITY)]
    x = [(x0 + ks[0]).astype(np.uint32), (x1 + ks[1]).astype(np.uint32)]
    for i in range(5):
        for r in (_ROT_A, _ROT_B)[i % 2]:
            x[0] = (x[0] + x[1]).astype(np.uint32)
            x[1] = _np_rotl(x[1], r)
            x[1] = x[1] ^ x[0]
        x[0] = (x[0] + ks[(i + 1) % 3]).astype(np.uint32)
        x[1] = (x[1] + ks[(i + 2) % 3] + np.uint32(i + 1)).astype(np.uint32)
    return x


@functools.lru_cache(maxsize=None)
def _split_keys():
    b1, b2 = _np_threefry2x32(np.uint32(0), np.uint32(42),
                              np.zeros(2, np.uint32),
                              np.arange(2, dtype=np.uint32))
    return (int(b1[0]), int(b2[0])), (int(b1[1]), int(b2[1]))


def _sel3(m, a, b, c):
    return jnp.where(m == 0, a, jnp.where(m == 1, b, c))


def _sc_threefry_bits2(k0, k1, cnt_a, cnt_b):
    k2 = k0 ^ k1 ^ jnp.uint32(_PARITY)
    a0 = jnp.zeros((_LANES,), jnp.uint32) + k0
    b0 = a0
    a1 = cnt_a + k1
    b1 = cnt_b + k1

    def group(i, carry):
        a0, a1, b0, b1 = carry
        odd = (i % 2).astype(jnp.uint32)
        for ra, rb in zip(_ROT_A, _ROT_B):
            d = jnp.where(odd == 0, jnp.uint32(ra), jnp.uint32(rb))
            dn = jnp.uint32(32) - d
            a0 = a0 + a1
            b0 = b0 + b1
            a1 = (a1 << d) | (a1 >> dn)
            b1 = (b1 << d) | (b1 >> dn)
            a1 = a1 ^ a0
            b1 = b1 ^ b0
        m1 = ((i + 1) % 3).astype(jnp.uint32)
        m2 = ((i + 2) % 3).astype(jnp.uint32)
        j1 = _sel3(m1, k0, k1, k2)
        j2 = _sel3(m2, k0, k1, k2) + (i + 1).astype(jnp.uint32)
        return (a0 + j1, a1 + j2, b0 + j1, b1 + j2)

    a0, a1, b0, b1 = lax.fori_loop(0, 5, group, (a0, a1, b0, b1))
    return a0 ^ a1, b0 ^ b1


def _sc_threefry_bits4(kr, kc, cra, crb, cca, ccb):
    kr0, kr1 = kr
    kc0, kc1 = kc
    kr2 = kr0 ^ kr1 ^ jnp.uint32(_PARITY)
    kc2 = kc0 ^ kc1 ^ jnp.uint32(_PARITY)
    zeros = jnp.zeros((_LANES,), jnp.uint32)
    ra0, rb0 = zeros + kr0, zeros + kr0
    ca0, cb0 = zeros + kc0, zeros + kc0
    ra1, rb1 = cra + kr1, crb + kr1
    ca1, cb1 = cca + kc1, ccb + kc1

    def group(i, carry):
        ra0, ra1, rb0, rb1, ca0, ca1, cb0, cb1 = carry
        odd = (i % 2).astype(jnp.uint32)
        for rot_a, rot_b in zip(_ROT_A, _ROT_B):
            d = jnp.where(odd == 0, jnp.uint32(rot_a), jnp.uint32(rot_b))
            dn = jnp.uint32(32) - d
            ra0 = ra0 + ra1
            rb0 = rb0 + rb1
            ca0 = ca0 + ca1
            cb0 = cb0 + cb1
            ra1 = (ra1 << d) | (ra1 >> dn)
            rb1 = (rb1 << d) | (rb1 >> dn)
            ca1 = (ca1 << d) | (ca1 >> dn)
            cb1 = (cb1 << d) | (cb1 >> dn)
            ra1 = ra1 ^ ra0
            rb1 = rb1 ^ rb0
            ca1 = ca1 ^ ca0
            cb1 = cb1 ^ cb0
        m1 = ((i + 1) % 3).astype(jnp.uint32)
        m2 = ((i + 2) % 3).astype(jnp.uint32)
        inc = (i + 1).astype(jnp.uint32)
        jr1 = _sel3(m1, kr0, kr1, kr2)
        jr2 = _sel3(m2, kr0, kr1, kr2) + inc
        jc1 = _sel3(m1, kc0, kc1, kc2)
        jc2 = _sel3(m2, kc0, kc1, kc2) + inc
        return (ra0 + jr1, ra1 + jr2, rb0 + jr1, rb1 + jr2,
                ca0 + jc1, ca1 + jc2, cb0 + jc1, cb1 + jc2)

    ra0, ra1, rb0, rb1, ca0, ca1, cb0, cb1 = lax.fori_loop(
        0, 5, group, (ra0, ra1, rb0, rb1, ca0, ca1, cb0, cb1)
    )
    return ra0 ^ ra1, rb0 ^ rb1, ca0 ^ ca1, cb0 ^ cb1


@functools.lru_cache(maxsize=None)
def _make_sc_kernel(batch_size: int, n_rows: int, n_cols: int):
    info = plsc.get_sparse_core_info()
    ns = info.num_subcores
    nc = 1
    nw = nc * ns
    assert batch_size % nw == 0
    n_batch_per_w = batch_size // nw
    assert n_batch_per_w <= 2
    assert _VOCAB_SIZE % n_rows == 0 and _VOCAB_SIZE % n_cols == 0
    w_row, w_col = _VOCAB_SIZE // n_rows, _VOCAB_SIZE // n_cols
    assert w_row & (w_row - 1) == 0 and w_col & (w_col - 1) == 0
    lg_row, lg_col = w_row.bit_length() - 1, w_col.bit_length() - 1
    assert n_rows % _LANES == 0 and n_cols % _LANES == 0
    (kr0, kr1), (kc0, kc1) = _split_keys()
    mesh = plsc.VectorSubcoreMesh(core_axis_name="c", subcore_axis_name="s",
                                  num_cores=nc)
    n_row_chunks = n_rows // _LANES
    n_col_chunks = n_cols // _LANES
    assert n_row_chunks == 2 and n_col_chunks == 2
    chunks_per_batch = n_row_chunks + n_col_chunks
    n_chunks = n_batch_per_w * chunks_per_batch

    @functools.partial(
        pl.kernel,
        mesh=mesh,
        compiler_params=pltpu.CompilerParams(needs_layout_passes=False,
                                             skip_device_barrier=True),
        out_type=jax.ShapeDtypeStruct((batch_size, n_rows, n_cols), jnp.float32),
        scratch_types=[
            pltpu.VMEM((_VOCAB_SIZE,), jnp.float32),
            pltpu.VMEM((_VOCAB_SIZE,), jnp.float32),
            pltpu.VMEM((n_chunks * _LANES,), jnp.uint32),
            pltpu.VMEM((2, n_rows, n_cols), jnp.float32),
            pltpu.SemaphoreType.DMA,
            pltpu.SemaphoreType.DMA,
        ],
    )
    def sc_kernel(rt_hbm, ct_hbm, out_hbm, rt_v, ct_v, bits_v,
                  out_v, sem, out_sem):
        wid = lax.axis_index("s") * nc + lax.axis_index("c")
        lane = lax.iota(jnp.int32, _LANES)
        c1 = pltpu.async_copy(rt_hbm, rt_v, sem)
        c2 = pltpu.async_copy(ct_hbm, ct_v, sem)

        def hash_batch(t, _):
            b = wid + nw * t
            rbase = (b * n_rows + lane).astype(jnp.uint32)
            cbase = (b * n_cols + lane).astype(jnp.uint32)
            bra, brb, bca, bcb = _sc_threefry_bits4(
                (jnp.uint32(kr0), jnp.uint32(kr1)),
                (jnp.uint32(kc0), jnp.uint32(kc1)),
                rbase, rbase + jnp.uint32(_LANES),
                cbase, cbase + jnp.uint32(_LANES),
            )
            off = t * chunks_per_batch * _LANES
            bits_v[pl.ds(off, _LANES)] = bra
            bits_v[pl.ds(off + _LANES, _LANES)] = brb
            bits_v[pl.ds(off + 2 * _LANES, _LANES)] = bca
            bits_v[pl.ds(off + 3 * _LANES, _LANES)] = bcb
            return 0

        lax.fori_loop(0, n_batch_per_w, hash_batch, 0)
        c1.wait()
        c2.wait()

        out_copies = []
        for t in range(n_batch_per_w):
            base = t * chunks_per_batch * _LANES
            cvals, rvals = [], []
            for j in range(0, n_cols, _LANES):
                bits = bits_v[pl.ds(base + n_rows + j, _LANES)]
                frac = ((bits >> jnp.uint32(32 - lg_col)).astype(jnp.int32)
                        if lg_col else 0)
                cidx = w_col * (j + lane) + frac
                cvals.append(plsc.load_gather(ct_v, [cidx]))
            for j in range(0, n_rows, _LANES):
                bits = bits_v[pl.ds(base + j, _LANES)]
                frac = ((bits >> jnp.uint32(32 - lg_row)).astype(jnp.int32)
                        if lg_row else 0)
                ridx = w_row * (j + lane) + frac
                rvals.append(plsc.load_gather(rt_v, [ridx]))

            b = wid + nw * t
            for k, rvec in enumerate(rvals):

                def out_rows(r, _, rvec=rvec, k=k):
                    splat = jnp.zeros((_LANES,), jnp.int32) + r
                    rv = rvec.at[splat].get(mode="promise_in_bounds")
                    for j in range(0, n_cols, _LANES):
                        out_v[t % 2, k * _LANES + r, pl.ds(j, _LANES)] = (
                            rv + cvals[j // _LANES]
                        )
                    return 0

                lax.fori_loop(0, _LANES, out_rows, 0)
                out_copies.append(pltpu.async_copy(
                    out_v.at[t % 2, pl.ds(k * _LANES, _LANES)],
                    out_hbm.at[b, pl.ds(k * _LANES, _LANES)],
                    out_sem,
                ))
            while len(out_copies) > 2:
                out_copies.pop(0).wait()
        for c in out_copies:
            c.wait()

    return sc_kernel


def kernel(images, row_table, col_table):
    batch_size, _, height, width = images.shape
    n_rows = height // _PATCH_SIZE
    n_cols = width // _PATCH_SIZE
    sc = _make_sc_kernel(batch_size, n_rows, n_cols)
    out = sc(row_table.reshape(_VOCAB_SIZE), col_table.reshape(_VOCAB_SIZE))
    return out.reshape(batch_size, 1, n_rows, n_cols)

# --- scband reference (transcript-rebuilt; emitter-appended) ---
"""Pipeline reference for scband-image-position-encoding-37804302139455 (READ-ONLY COPY).

The authoritative reference and input builder live on the scoring server;
editing this copy changes nothing except your own understanding.
"""

import jax, jax.numpy as jnp
import numpy as np

VOCAB_SIZE = 128
PATCH_SIZE = 16


def setup_inputs(seed: int = 0) -> dict:
    key = jax.random.key(seed)
    k_img, k_row, k_col = jax.random.split(key, 3)
    images = jax.random.normal(k_img, (32, 3, 512, 512), dtype=jnp.float32)
    row_table = jax.random.normal(k_row, (VOCAB_SIZE, 1), dtype=jnp.float32)
    col_table = jax.random.normal(k_col, (VOCAB_SIZE, 1), dtype=jnp.float32)
    return {"images": images, "row_table": row_table, "col_table": col_table}


def reference(images, row_table, col_table):
    batch_size, _, height, width = images.shape
    n_rows = height // PATCH_SIZE
    n_cols = width // PATCH_SIZE
    norm_row_intervals = jnp.arange(n_rows + 1, dtype=jnp.float32) / n_rows
    norm_col_intervals = jnp.arange(n_cols + 1, dtype=jnp.float32) / n_cols
    quant_row_intervals = jnp.round(norm_row_intervals * VOCAB_SIZE).astype(jnp.int32)
    quant_col_intervals = jnp.round(norm_col_intervals * VOCAB_SIZE).astype(jnp.int32)
    # training path: sample uniformly in [quant[i], quant[i+1]) per row/col, per batch element
    row_widths = (quant_row_intervals[1:] - quant_row_intervals[:-1]).astype(jnp.float32)
    col_widths = (quant_col_intervals[1:] - quant_col_intervals[:-1]).astype(jnp.float32)
    skey = jax.random.key(42)
    kr, kc = jax.random.split(skey)
    ur = jax.random.uniform(kr, (batch_size, n_rows))
    uc = jax.random.uniform(kc, (batch_size, n_cols))
    sampled_row_idx = quant_row_intervals[:-1][None, :] + jnp.floor(ur * row_widths[None, :]).astype(jnp.int32)
    sampled_col_idx = quant_col_intervals[:-1][None, :] + jnp.floor(uc * col_widths[None, :]).astype(jnp.int32)
    # embedding lookups (gather)
    row_pos_encodings = jnp.take(row_table, sampled_row_idx, axis=0)  # (B, n_rows, 1)
    col_pos_encodings = jnp.take(col_table, sampled_col_idx, axis=0)  # (B, n_cols, 1)
    row_pos_encodings = row_pos_encodings.reshape(batch_size, 1, n_rows, 1)
    col_pos_encodings = col_pos_encodings.reshape(batch_size, 1, 1, n_cols)
    return row_pos_encodings + col_pos_encodings

if __name__ == "__main__":
    import jax
    _d = setup_inputs()
    print(jax.jit(kernel)(*tuple(_d.values())))

</pallas_src>

<mosaic_0001>
#map = affine_map<(d0, d1) -> (0)>
#map1 = affine_map<(d0, d1) -> (0, 0, 0)>
module attributes {stable_mosaic.version = 14 : i64} {
  func.func @sc_kernel(%arg0: i32, %arg1: i32, %arg2: memref<128xf32, #tpu.memory_space<hbm>>, %arg3: memref<128xf32, #tpu.memory_space<hbm>>, %arg4: memref<32x32x32xf32, #tpu.memory_space<hbm>>, %arg5: memref<128xf32, #tpu.memory_space<vmem>>, %arg6: memref<128xf32, #tpu.memory_space<vmem>>, %arg7: memref<128xi32, #tpu.memory_space<vmem>>, %arg8: memref<2x32x32xf32, #tpu.memory_space<vmem>>, %arg9: memref<!tpu.dma_semaphore, #tpu.memory_space<semaphore_mem>>, %arg10: memref<!tpu.dma_semaphore, #tpu.memory_space<semaphore_mem>>) attributes {dimension_semantics = [#tpu.dimension_semantics<core_parallel>, #tpu.dimension_semantics<subcore_parallel>], iteration_bounds = array<i64: 1, 16>, scalar_prefetch = 0 : i64, scratch_operands = 6 : i64, tpu.core_type = #tpu.core_type<sc_vector_subcore>, window_params = [{transform_indices = #map}, {transform_indices = #map}, {transform_indices = #map1}]} {
    %mul3A = arith.constant 1 : i32
    %mul3A_0 = arith.muli %arg1, %mul3A : i32
    %add3A = arith.addi %mul3A_0, %arg0 : i32
    %iota3A = tpu.iota {dimensions = array<i32: 0>} : vector<16xi32>
    tpu.enqueue_dma source(%arg2 : memref<128xf32, #tpu.memory_space<hbm>>) target(%arg5 : memref<128xf32, #tpu.memory_space<vmem>>) target_semaphore(%arg9 : memref<!tpu.dma_semaphore, #tpu.memory_space<semaphore_mem>>)
    tpu.enqueue_dma source(%arg3 : memref<128xf32, #tpu.memory_space<hbm>>) target(%arg6 : memref<128xf32, #tpu.memory_space<vmem>>) target_semaphore(%arg9 : memref<!tpu.dma_semaphore, #tpu.memory_space<semaphore_mem>>)
    %scan3A = arith.constant 0 : i32
    %scan3A_1 = arith.constant 0 : i32
    %scan3A_2 = arith.constant 2 : i32
    %scan3A_3 = arith.addi %scan3A_1, %scan3A_2 : i32
    %scan3A_4 = arith.constant 1 : i32
    %scan3A_5 = scf.for %scan3A_274 = %scan3A_1 to %scan3A_3 step %scan3A_4 iter_args(%scan3A_275 = %scan3A) -> (i32)  : i32 {
      %mul3A_276 = arith.constant 16 : i32
      %mul3A_277 = arith.muli %mul3A_276, %scan3A_274 : i32
      %add3A_278 = arith.addi %add3A, %mul3A_277 : i32
      %mul3A_279 = arith.constant 32 : i32
      %mul3A_280 = arith.muli %add3A_278, %mul3A_279 : i32
      %add3A_281 = vector.broadcast %mul3A_280 : i32 to vector<16xi32>
      %add3A_282 = arith.addi %add3A_281, %iota3A : vector<16xi32>
      %mul3A_283 = arith.constant 32 : i32
      %mul3A_284 = arith.muli %add3A_278, %mul3A_283 : i32
      %add3A_285 = vector.broadcast %mul3A_284 : i32 to vector<16xi32>
      %add3A_286 = arith.addi %add3A_285, %iota3A : vector<16xi32>
      %add3A_287 = arith.constant 16 : i32
      %add3A_288 = vector.broadcast %add3A_287 : i32 to vector<16xi32>
      %add3A_289 = arith.addi %add3A_282, %add3A_288 : vector<16xi32>
      %add3A_290 = arith.constant 16 : i32
      %add3A_291 = vector.broadcast %add3A_290 : i32 to vector<16xi32>
      %add3A_292 = arith.addi %add3A_286, %add3A_291 : vector<16xi32>
      %xor3A = arith.constant 1832780943 : i32
      %xor3A_293 = arith.constant 270669613 : i32
      %xor3A_294 = arith.xori %xor3A, %xor3A_293 : i32
      %xor3A_295 = arith.constant 466688986 : i32
      %xor3A_296 = arith.xori %xor3A_294, %xor3A_295 : i32
      %xor3A_297 = arith.constant 64467757 : i32
      %xor3A_298 = arith.constant -1378843660 : i32
      %xor3A_299 = arith.xori %xor3A_297, %xor3A_298 : i32
      %xor3A_300 = arith.constant 466688986 : i32
      %xor3A_301 = arith.xori %xor3A_299, %xor3A_300 : i32
      %broadcast_in_dim3A = arith.constant 0 : i32
      %broadcast_in_dim3A_302 = vector.broadcast %broadcast_in_dim3A : i32 to vector<16xi32>
      %add3A_303 = arith.constant 1832780943 : i32
      %add3A_304 = vector.broadcast %add3A_303 : i32 to vector<16xi32>
      %add3A_305 = arith.addi %broadcast_in_dim3A_302, %add3A_304 : vector<16xi32>
      %add3A_306 = arith.constant 1832780943 : i32
      %add3A_307 = vector.broadcast %add3A_306 : i32 to vector<16xi32>
      %add3A_308 = arith.addi %broadcast_in_dim3A_302, %add3A_307 : vector<16xi32>
      %add3A_309 = arith.constant 64467757 : i32
      %add3A_310 = vector.broadcast %add3A_309 : i32 to vector<16xi32>
      %add3A_311 = arith.addi %broadcast_in_dim3A_302, %add3A_310 : vector<16xi32>
      %add3A_312 = arith.constant 64467757 : i32
      %add3A_313 = vector.broadcast %add3A_312 : i32 to vector<16xi32>
      %add3A_314 = arith.addi %broadcast_in_dim3A_302, %add3A_313 : vector<16xi32>
      %add3A_315 = arith.constant 270669613 : i32
      %add3A_316 = vector.broadcast %add3A_315 : i32 to vector<16xi32>
      %add3A_317 = arith.addi %add3A_282, %add3A_316 : vector<16xi32>
      %add3A_318 = arith.constant 270669613 : i32
      %add3A_319 = vector.broadcast %add3A_318 : i32 to vector<16xi32>
      %add3A_320 = arith.addi %add3A_289, %add3A_319 : vector<16xi32>
      %add3A_321 = arith.constant -1378843660 : i32
      %add3A_322 = vector.broadcast %add3A_321 : i32 to vector<16xi32>
      %add3A_323 = arith.addi %add3A_286, %add3A_322 : vector<16xi32>
      %add3A_324 = arith.constant -1378843660 : i32
      %add3A_325 = vector.broadcast %add3A_324 : i32 to vector<16xi32>
      %add3A_326 = arith.addi %add3A_292, %add3A_325 : vector<16xi32>
      %scan3A_327 = arith.constant 270669613 : i32
      %scan3A_328 = arith.constant 1832780943 : i32
      %scan3A_329 = arith.constant -1378843660 : i32
      %scan3A_330 = arith.constant 64467757 : i32
      %scan3A_331 = arith.constant 0 : i32
      %scan3A_332 = arith.constant 5 : i32
      %scan3A_333 = arith.addi %scan3A_331, %scan3A_332 : i32
      %scan3A_334 = arith.constant 1 : i32
      %scan3A_335:8 = scf.for %scan3A_359 = %scan3A_331 to %scan3A_333 step %scan3A_334 iter_args(%scan3A_360 = %add3A_305, %scan3A_361 = %add3A_317, %scan3A_362 = %add3A_308, %scan3A_363 = %add3A_320, %scan3A_364 = %add3A_311, %scan3A_365 = %add3A_323, %scan3A_366 = %add3A_314, %scan3A_367 = %add3A_326) -> (vector<16xi32>, vector<16xi32>, vector<16xi32>, vector<16xi32>, vector<16xi32>, vector<16xi32>, vector<16xi32>, vector<16xi32>)  : i32 {
        %jit3A = arith.constant 2 : i32
        %eq3A = arith.constant 0 : i32
        %eq3A_368 = arith.cmpi eq, %jit3A, %eq3A : i32
        %jit3A_369 = arith.constant 1 : i32
        %select_n3A = arith.select %eq3A_368, %jit3A_369, %jit3A : i32
        %rem3A = arith.remsi %scan3A_359, %select_n3A : i32
        %ne3A = arith.constant 0 : i32
        %ne3A_370 = arith.cmpi ne, %rem3A, %ne3A : i32
        %lt3A = arith.constant 0 : i32
        %lt3A_371 = arith.cmpi slt, %rem3A, %lt3A : i32
        %lt3A_372 = arith.constant 0 : i32
        %lt3A_373 = arith.cmpi slt, %select_n3A, %lt3A_372 : i32
        %ne3A_374 = arith.xori %lt3A_371, %lt3A_373 : i1
        %and3A = arith.andi %ne3A_374, %ne3A_370 : i1
        %add3A_375 = arith.addi %rem3A, %select_n3A : i32
        %select_n3A_376 = arith.select %and3A, %add3A_375, %rem3A : i32
        %eq3A_377 = arith.constant 0 : i32
        %eq3A_378 = arith.cmpi eq, %select_n3A_376, %eq3A_377 : i32
        %jit3A_379 = arith.constant 13 : i32
        %jit3A_380 = arith.constant 17 : i32
        %select_n3A_381 = arith.select %eq3A_378, %jit3A_379, %jit3A_380 : i32
        %sub3A = arith.constant 32 : i32
        %sub3A_382 = arith.subi %sub3A, %select_n3A_381 : i32
        %add3A_383 = arith.addi %scan3A_360, %scan3A_361 : vector<16xi32>
        %add3A_384 = arith.addi %scan3A_362, %scan3A_363 : vector<16xi32>
        %add3A_385 = arith.addi %scan3A_364, %scan3A_365 : vector<16xi32>
        %add3A_386 = arith.addi %scan3A_366, %scan3A_367 : vector<16xi32>
        %shift_left3A = vector.broadcast %select_n3A_381 : i32 to vector<16xi32>
        %shift_left3A_387 = arith.shli %scan3A_361, %shift_left3A : vector<16xi32>
        %shift_right_logical3A_388 = vector.broadcast %sub3A_382 : i32 to vector<16xi32>
        %shift_right_logical3A_389 = arith.shrui %scan3A_361, %shift_right_logical3A_388 : vector<16xi32>
        %or3A = arith.ori %shift_left3A_387, %shift_right_logical3A_389 : vector<16xi32>
        %shift_left3A_390 = vector.broadcast %select_n3A_381 : i32 to vector<16xi32>
        %shift_left3A_391 = arith.shli %scan3A_363, %shift_left3A_390 : vector<16xi32>
        %shift_right_logical3A_392 = vector.broadcast %sub3A_382 : i32 to vector<16xi32>
        %shift_right_logical3A_393 = arith.shrui %scan3A_363, %shift_right_logical3A_392 : vector<16xi32>
        %or3A_394 = arith.ori %shift_left3A_391, %shift_right_logical3A_393 : vector<16xi32>
        %shift_left3A_395 = vector.broadcast %select_n3A_381 : i32 to vector<16xi32>
        %shift_left3A_396 = arith.shli %scan3A_365, %shift_left3A_395 : vector<16xi32>
        %shift_right_logical3A_397 = vector.broadcast %sub3A_382 : i32 to vector<16xi32>
        %shift_right_logical3A_398 = arith.shrui %scan3A_365, %shift_right_logical3A_397 : vector<16xi32>
        %or3A_399 = arith.ori %shift_left3A_396, %shift_right_logical3A_398 : vector<16xi32>
        %shift_left3A_400 = vector.broadcast %select_n3A_381 : i32 to vector<16xi32>
        %shift_left3A_401 = arith.shli %scan3A_367, %shift_left3A_400 : vector<16xi32>
        %shift_right_logical3A_402 = vector.broadcast %sub3A_382 : i32 to vector<16xi32>
        %shift_right_logical3A_403 = arith.shrui %scan3A_367, %shift_right_logical3A_402 : vector<16xi32>
        %or3A_404 = arith.ori %shift_left3A_401, %shift_right_logical3A_403 : vector<16xi32>
        %xor3A_405 = arith.xori %or3A, %add3A_383 : vector<16xi32>
        %xor3A_406 = arith.xori %or3A_394, %add3A_384 : vector<16xi32>
        %xor3A_407 = arith.xori %or3A_399, %add3A_385 : vector<16xi32>
        %xor3A_408 = arith.xori %or3A_404, %add3A_386 : vector<16xi32>
        %eq3A_409 = arith.constant 0 : i32
        %eq3A_410 = arith.cmpi eq, %select_n3A_376, %eq3A_409 : i32
        %jit3A_411 = arith.constant 15 : i32
        %jit3A_412 = arith.constant 29 : i32
        %select_n3A_413 = arith.select %eq3A_410, %jit3A_411, %jit3A_412 : i32
        %sub3A_414 = arith.constant 32 : i32
        %sub3A_415 = arith.subi %sub3A_414, %select_n3A_413 : i32
        %add3A_416 = arith.addi %add3A_383, %xor3A_405 : vector<16xi32>
        %add3A_417 = arith.addi %add3A_384, %xor3A_406 : vector<16xi32>
        %add3A_418 = arith.addi %add3A_385, %xor3A_407 : vector<16xi32>
        %add3A_419 = arith.addi %add3A_386, %xor3A_408 : vector<16xi32>
        %shift_left3A_420 = vector.broadcast %select_n3A_413 : i32 to vector<16xi32>
        %shift_left3A_421 = arith.shli %xor3A_405, %shift_left3A_420 : vector<16xi32>
        %shift_right_logical3A_422 = vector.broadcast %sub3A_415 : i32 to vector<16xi32>
        %shift_right_logical3A_423 = arith.shrui %xor3A_405, %shift_right_logical3A_422 : vector<16xi32>
        %or3A_424 = arith.ori %shift_left3A_421, %shift_right_logical3A_423 : vector<16xi32>
        %shift_left3A_425 = vector.broadcast %select_n3A_413 : i32 to vector<16xi32>
        %shift_left3A_426 = arith.shli %xor3A_406, %shift_left3A_425 : vector<16xi32>
        %shift_right_logical3A_427 = vector.broadcast %sub3A_415 : i32 to vector<16xi32>
        %shift_right_logical3A_428 = arith.shrui %xor3A_406, %shift_right_logical3A_427 : vector<16xi32>
        %or3A_429 = arith.ori %shift_left3A_426, %shift_right_logical3A_428 : vector<16xi32>
        %shift_left3A_430 = vector.broadcast %select_n3A_413 : i32 to vector<16xi32>
        %shift_left3A_431 = arith.shli %xor3A_407, %shift_left3A_430 : vector<16xi32>
        %shift_right_logical3A_432 = vector.broadcast %sub3A_415 : i32 to vector<16xi32>
        %shift_right_logical3A_433 = arith.shrui %xor3A_407, %shift_right_logical3A_432 : vector<16xi32>
        %or3A_434 = arith.ori %shift_left3A_431, %shift_right_logical3A_433 : vector<16xi32>
        %shift_left3A_435 = vector.broadcast %select_n3A_413 : i32 to vector<16xi32>
        %shift_left3A_436 = arith.shli %xor3A_408, %shift_left3A_435 : vector<16xi32>
        %shift_right_logical3A_437 = vector.broadcast %sub3A_415 : i32 to vector<16xi32>
        %shift_right_logical3A_438 = arith.shrui %xor3A_408, %shift_right_logical3A_437 : vector<16xi32>
        %or3A_439 = arith.ori %shift_left3A_436, %shift_right_logical3A_438 : vector<16xi32>
        %xor3A_440 = arith.xori %or3A_424, %add3A_416 : vector<16xi32>
        %xor3A_441 = arith.xori %or3A_429, %add3A_417 : vector<16xi32>
        %xor3A_442 = arith.xori %or3A_434, %add3A_418 : vector<16xi32>
        %xor3A_443 = arith.xori %or3A_439, %add3A_419 : vector<16xi32>
        %eq3A_444 = arith.constant 0 : i32
        %eq3A_445 = arith.cmpi eq, %select_n3A_376, %eq3A_444 : i32
        %jit3A_446 = arith.constant 26 : i32
        %jit3A_447 = arith.constant 16 : i32
        %select_n3A_448 = arith.select %eq3A_445, %jit3A_446, %jit3A_447 : i32
        %sub3A_449 = arith.constant 32 : i32
        %sub3A_450 = arith.subi %sub3A_449, %select_n3A_448 : i32
        %add3A_451 = arith.addi %add3A_416, %xor3A_440 : vector<16xi32>
        %add3A_452 = arith.addi %add3A_417, %xor3A_441 : vector<16xi32>
        %add3A_453 = arith.addi %add3A_418, %xor3A_442 : vector<16xi32>
        %add3A_454 = arith.addi %add3A_419, %xor3A_443 : vector<16xi32>
        %shift_left3A_455 = vector.broadcast %select_n3A_448 : i32 to vector<16xi32>
        %shift_left3A_456 = arith.shli %xor3A_440, %shift_left3A_455 : vector<16xi32>
        %shift_right_logical3A_457 = vector.broadcast %sub3A_450 : i32 to vector<16xi32>
        %shift_right_logical3A_458 = arith.shrui %xor3A_440, %shift_right_logical3A_457 : vector<16xi32>
        %or3A_459 = arith.ori %shift_left3A_456, %shift_right_logical3A_458 : vector<16xi32>
        %shift_left3A_460 = vector.broadcast %select_n3A_448 : i32 to vector<16xi32>
        %shift_left3A_461 = arith.shli %xor3A_441, %shift_left3A_460 : vector<16xi32>
        %shift_right_logical3A_462 = vector.broadcast %sub3A_450 : i32 to vector<16xi32>
        %shift_right_logical3A_463 = arith.shrui %xor3A_441, %shift_right_logical3A_462 : vector<16xi32>
        %or3A_464 = arith.ori %shift_left3A_461, %shift_right_logical3A_463 : vector<16xi32>
        %shift_left3A_465 = vector.broadcast %select_n3A_448 : i32 to vector<16xi32>
        %shift_left3A_466 = arith.shli %xor3A_442, %shift_left3A_465 : vector<16xi32>
        %shift_right_logical3A_467 = vector.broadcast %sub3A_450 : i32 to vector<16xi32>
        %shift_right_logical3A_468 = arith.shrui %xor3A_442, %shift_right_logical3A_467 : vector<16xi32>
        %or3A_469 = arith.ori %shift_left3A_466, %shift_right_logical3A_468 : vector<16xi32>
        %shift_left3A_470 = vector.broadcast %select_n3A_448 : i32 to vector<16xi32>
        %shift_left3A_471 = arith.shli %xor3A_443, %shift_left3A_470 : vector<16xi32>
        %shift_right_logical3A_472 = vector.broadcast %sub3A_450 : i32 to vector<16xi32>
        %shift_right_logical3A_473 = arith.shrui %xor3A_443, %shift_right_logical3A_472 : vector<16xi32>
        %or3A_474 = arith.ori %shift_left3A_471, %shift_right_logical3A_473 : vector<16xi32>
        %xor3A_475 = arith.xori %or3A_459, %add3A_451 : vector<16xi32>
        %xor3A_476 = arith.xori %or3A_464, %add3A_452 : vector<16xi32>
        %xor3A_477 = arith.xori %or3A_469, %add3A_453 : vector<16xi32>
        %xor3A_478 = arith.xori %or3A_474, %add3A_454 : vector<16xi32>
        %eq3A_479 = arith.constant 0 : i32
        %eq3A_480 = arith.cmpi eq, %select_n3A_376, %eq3A_479 : i32
        %jit3A_481 = arith.constant 6 : i32
        %jit3A_482 = arith.constant 24 : i32
        %select_n3A_483 = arith.select %eq3A_480, %jit3A_481, %jit3A_482 : i32
        %sub3A_484 = arith.constant 32 : i32
        %sub3A_485 = arith.subi %sub3A_484, %select_n3A_483 : i32
        %add3A_486 = arith.addi %add3A_451, %xor3A_475 : vector<16xi32>
        %add3A_487 = arith.addi %add3A_452, %xor3A_476 : vector<16xi32>
        %add3A_488 = arith.addi %add3A_453, %xor3A_477 : vector<16xi32>
        %add3A_489 = arith.addi %add3A_454, %xor3A_478 : vector<16xi32>
        %shift_left3A_490 = vector.broadcast %select_n3A_483 : i32 to vector<16xi32>
        %shift_left3A_491 = arith.shli %xor3A_475, %shift_left3A_490 : vector<16xi32>
        %shift_right_logical3A_492 = vector.broadcast %sub3A_485 : i32 to vector<16xi32>
        %shift_right_logical3A_493 = arith.shrui %xor3A_475, %shift_right_logical3A_492 : vector<16xi32>
        %or3A_494 = arith.ori %shift_left3A_491, %shift_right_logical3A_493 : vector<16xi32>
        %shift_left3A_495 = vector.broadcast %select_n3A_483 : i32 to vector<16xi32>
        %shift_left3A_496 = arith.shli %xor3A_476, %shift_left3A_495 : vector<16xi32>
        %shift_right_logical3A_497 = vector.broadcast %sub3A_485 : i32 to vector<16xi32>
        %shift_right_logical3A_498 = arith.shrui %xor3A_476, %shift_right_logical3A_497 : vector<16xi32>
        %or3A_499 = arith.ori %shift_left3A_496, %shift_right_logical3A_498 : vector<16xi32>
        %shift_left3A_500 = vector.broadcast %select_n3A_483 : i32 to vector<16xi32>
        %shift_left3A_501 = arith.shli %xor3A_477, %shift_left3A_500 : vector<16xi32>
        %shift_right_logical3A_502 = vector.broadcast %sub3A_485 : i32 to vector<16xi32>
        %shift_right_logical3A_503 = arith.shrui %xor3A_477, %shift_right_logical3A_502 : vector<16xi32>
        %or3A_504 = arith.ori %shift_left3A_501, %shift_right_logical3A_503 : vector<16xi32>
        %shift_left3A_505 = vector.broadcast %select_n3A_483 : i32 to vector<16xi32>
        %shift_left3A_506 = arith.shli %xor3A_478, %shift_left3A_505 : vector<16xi32>
        %shift_right_logical3A_507 = vector.broadcast %sub3A_485 : i32 to vector<16xi32>
        %shift_right_logical3A_508 = arith.shrui %xor3A_478, %shift_right_logical3A_507 : vector<16xi32>
        %or3A_509 = arith.ori %shift_left3A_506, %shift_right_logical3A_508 : vector<16xi32>
        %xor3A_510 = arith.xori %or3A_494, %add3A_486 : vector<16xi32>
        %xor3A_511 = arith.xori %or3A_499, %add3A_487 : vector<16xi32>
        %xor3A_512 = arith.xori %or3A_504, %add3A_488 : vector<16xi32>
        %xor3A_513 = arith.xori %or3A_509, %add3A_489 : vector<16xi32>
        %add3A_514 = arith.constant 1 : i32
        %add3A_515 = arith.addi %scan3A_359, %add3A_514 : i32
        %jit3A_516 = arith.constant 3 : i32
        %eq3A_517 = arith.constant 0 : i32
        %eq3A_518 = arith.cmpi eq, %jit3A_516, %eq3A_517 : i32
        %jit3A_519 = arith.constant 1 : i32
        %select_n3A_520 = arith.select %eq3A_518, %jit3A_519, %jit3A_516 : i32
        %rem3A_521 = arith.remsi %add3A_515, %select_n3A_520 : i32
        %ne3A_522 = arith.constant 0 : i32
        %ne3A_523 = arith.cmpi ne, %rem3A_521, %ne3A_522 : i32
        %lt3A_524 = arith.constant 0 : i32
        %lt3A_525 = arith.cmpi slt, %rem3A_521, %lt3A_524 : i32
        %lt3A_526 = arith.constant 0 : i32
        %lt3A_527 = arith.cmpi slt, %select_n3A_520, %lt3A_526 : i32
        %ne3A_528 = arith.xori %lt3A_525, %lt3A_527 : i1
        %and3A_529 = arith.andi %ne3A_528, %ne3A_523 : i1
        %add3A_530 = arith.addi %rem3A_521, %select_n3A_520 : i32
        %select_n3A_531 = arith.select %and3A_529, %add3A_530, %rem3A_521 : i32
        %add3A_532 = arith.constant 2 : i32
        %add3A_533 = arith.addi %scan3A_359, %add3A_532 : i32
        %jit3A_534 = arith.constant 3 : i32
        %eq3A_535 = arith.constant 0 : i32
        %eq3A_536 = arith.cmpi eq, %jit3A_534, %eq3A_535 : i32
        %jit3A_537 = arith.constant 1 : i32
        %select_n3A_538 = arith.select %eq3A_536, %jit3A_537, %jit3A_534 : i32
        %rem3A_539 = arith.remsi %add3A_533, %select_n3A_538 : i32
        %ne3A_540 = arith.constant 0 : i32
        %ne3A_541 = arith.cmpi ne, %rem3A_539, %ne3A_540 : i32
        %lt3A_542 = arith.constant 0 : i32
        %lt3A_543 = arith.cmpi slt, %rem3A_539, %lt3A_542 : i32
        %lt3A_544 = arith.constant 0 : i32
        %lt3A_545 = arith.cmpi slt, %select_n3A_538, %lt3A_544 : i32
        %ne3A_546 = arith.xori %lt3A_543, %lt3A_545 : i1
        %and3A_547 = arith.andi %ne3A_546, %ne3A_541 : i1
        %add3A_548 = arith.addi %rem3A_539, %select_n3A_538 : i32
        %select_n3A_549 = arith.select %and3A_547, %add3A_548, %rem3A_539 : i32
        %add3A_550 = arith.constant 1 : i32
        %add3A_551 = arith.addi %scan3A_359, %add3A_550 : i32
        %eq3A_552 = arith.constant 0 : i32
        %eq3A_553 = arith.cmpi eq, %select_n3A_531, %eq3A_552 : i32
        %eq3A_554 = arith.constant 1 : i32
        %eq3A_555 = arith.cmpi eq, %select_n3A_531, %eq3A_554 : i32
        %select_n3A_556 = arith.select %eq3A_555, %scan3A_327, %xor3A_296 : i32
        %select_n3A_557 = arith.select %eq3A_553, %scan3A_328, %select_n3A_556 : i32
        %eq3A_558 = arith.constant 0 : i32
        %eq3A_559 = arith.cmpi eq, %select_n3A_549, %eq3A_558 : i32
        %eq3A_560 = arith.constant 1 : i32
        %eq3A_561 = arith.cmpi eq, %select_n3A_549, %eq3A_560 : i32
        %select_n3A_562 = arith.select %eq3A_561, %scan3A_327, %xor3A_296 : i32
        %select_n3A_563 = arith.select %eq3A_559, %scan3A_328, %select_n3A_562 : i32
        %add3A_564 = arith.addi %select_n3A_563, %add3A_551 : i32
        %eq3A_565 = arith.constant 0 : i32
        %eq3A_566 = arith.cmpi eq, %select_n3A_531, %eq3A_565 : i32
        %eq3A_567 = arith.constant 1 : i32
        %eq3A_568 = arith.cmpi eq, %select_n3A_531, %eq3A_567 : i32
        %select_n3A_569 = arith.select %eq3A_568, %scan3A_329, %xor3A_301 : i32
        %select_n3A_570 = arith.select %eq3A_566, %scan3A_330, %select_n3A_569 : i32
        %eq3A_571 = arith.constant 0 : i32
        %eq3A_572 = arith.cmpi eq, %select_n3A_549, %eq3A_571 : i32
        %eq3A_573 = arith.constant 1 : i32
        %eq3A_574 = arith.cmpi eq, %select_n3A_549, %eq3A_573 : i32
        %select_n3A_575 = arith.select %eq3A_574, %scan3A_329, %xor3A_301 : i32
        %select_n3A_576 = arith.select %eq3A_572, %scan3A_330, %select_n3A_575 : i32
        %add3A_577 = arith.addi %select_n3A_576, %add3A_551 : i32
        %add3A_578 = vector.broadcast %select_n3A_557 : i32 to vector<16xi32>
        %add3A_579 = arith.addi %add3A_486, %add3A_578 : vector<16xi32>
        %add3A_580 = vector.broadcast %add3A_564 : i32 to vector<16xi32>
        %add3A_581 = arith.addi %xor3A_510, %add3A_580 : vector<16xi32>
        %add3A_582 = vector.broadcast %select_n3A_557 : i32 to vector<16xi32>
        %add3A_583 = arith.addi %add3A_487, %add3A_582 : vector<16xi32>
        %add3A_584 = vector.broadcast %add3A_564 : i32 to vector<16xi32>
        %add3A_585 = arith.addi %xor3A_511, %add3A_584 : vector<16xi32>
        %add3A_586 = vector.broadcast %select_n3A_570 : i32 to vector<16xi32>
        %add3A_587 = arith.addi %add3A_488, %add3A_586 : vector<16xi32>
        %add3A_588 = vector.broadcast %add3A_577 : i32 to vector<16xi32>
        %add3A_589 = arith.addi %xor3A_512, %add3A_588 : vector<16xi32>
        %add3A_590 = vector.broadcast %select_n3A_570 : i32 to vector<16xi32>
        %add3A_591 = arith.addi %add3A_489, %add3A_590 : vector<16xi32>
        %add3A_592 = vector.broadcast %add3A_577 : i32 to vector<16xi32>
        %add3A_593 = arith.addi %xor3A_513, %add3A_592 : vector<16xi32>
        scf.yield %add3A_579, %add3A_581, %add3A_583, %add3A_585, %add3A_587, %add3A_589, %add3A_591, %add3A_593 : vector<16xi32>, vector<16xi32>, vector<16xi32>, vector<16xi32>, vector<16xi32>, vector<16xi32>, vector<16xi32>, vector<16xi32>
      }
      %scan3A_336 = arith.constant 5 : i32
      %xor3A_337 = arith.xori %scan3A_335#0, %scan3A_335#1 : vector<16xi32>
      %xor3A_338 = arith.xori %scan3A_335#2, %scan3A_335#3 : vector<16xi32>
      %xor3A_339 = arith.xori %scan3A_335#4, %scan3A_335#5 : vector<16xi32>
      %xor3A_340 = arith.xori %scan3A_335#6, %scan3A_335#7 : vector<16xi32>
      %mul3A_341 = arith.constant 4 : i32
      %mul3A_342 = arith.muli %scan3A_274, %mul3A_341 : i32
      %mul3A_343 = arith.constant 16 : i32
      %mul3A_344 = arith.muli %mul3A_342, %mul3A_343 : i32
      %swap3A = arith.index_cast %mul3A_344 : i32 to index
      %swap3A_345 = tpu.vector_load %arg7[%swap3A] {strides = array<i32>} : memref<128xi32, #tpu.memory_space<vmem>>, vector<16xi32>,
      tpu.vector_store %arg7[%swap3A], %xor3A_337 {strides = array<i32>} : memref<128xi32, #tpu.memory_space<vmem>>, vector<16xi32>,
      %add3A_346 = arith.constant 16 : i32
      %add3A_347 = arith.addi %mul3A_344, %add3A_346 : i32
      %swap3A_348 = arith.index_cast %add3A_347 : i32 to index
      %swap3A_349 = tpu.vector_load %arg7[%swap3A_348] {strides = array<i32>} : memref<128xi32, #tpu.memory_space<vmem>>, vector<16xi32>,
      tpu.vector_store %arg7[%swap3A_348], %xor3A_338 {strides = array<i32>} : memref<128xi32, #tpu.memory_space<vmem>>, vector<16xi32>,
      %add3A_350 = arith.constant 32 : i32
      %add3A_351 = arith.addi %mul3A_344, %add3A_350 : i32
      %swap3A_352 = arith.index_cast %add3A_351 : i32 to index
      %swap3A_353 = tpu.vector_load %arg7[%swap3A_352] {strides = array<i32>} : memref<128xi32, #tpu.memory_space<vmem>>, vector<16xi32>,
      tpu.vector_store %arg7[%swap3A_352], %xor3A_339 {strides = array<i32>} : memref<128xi32, #tpu.memory_space<vmem>>, vector<16xi32>,
      %add3A_354 = arith.constant 48 : i32
      %add3A_355 = arith.addi %mul3A_344, %add3A_354 : i32
      %swap3A_356 = arith.index_cast %add3A_355 : i32 to index
      %swap3A_357 = tpu.vector_load %arg7[%swap3A_356] {strides = array<i32>} : memref<128xi32, #tpu.memory_space<vmem>>, vector<16xi32>,
      tpu.vector_store %arg7[%swap3A_356], %xor3A_340 {strides = array<i32>} : memref<128xi32, #tpu.memory_space<vmem>>, vector<16xi32>,
      %scan3A_358 = arith.constant 0 : i32
      scf.yield %scan3A_358 : i32
    }
    %scan3A_6 = arith.constant 2 : i32
    tpu.wait_dma2 semaphore(%arg9 : memref<!tpu.dma_semaphore, #tpu.memory_space<semaphore_mem>>) src(%arg2 : memref<128xf32, #tpu.memory_space<hbm>>) dst(%arg5 : memref<128xf32, #tpu.memory_space<vmem>>)
    tpu.wait_dma2 semaphore(%arg9 : memref<!tpu.dma_semaphore, #tpu.memory_space<semaphore_mem>>) src(%arg3 : memref<128xf32, #tpu.memory_space<hbm>>) dst(%arg6 : memref<128xf32, #tpu.memory_space<vmem>>)
    %get3A = arith.constant 32 : index
    %get3A_7 = tpu.vector_load %arg7[%get3A] {strides = array<i32>} : memref<128xi32, #tpu.memory_space<vmem>>, vector<16xi32>,
    %shift_right_logical3A = arith.constant 30 : i32
    %shift_right_logical3A_8 = vector.broadcast %shift_right_logical3A : i32 to vector<16xi32>
    %shift_right_logical3A_9 = arith.shrui %get3A_7, %shift_right_logical3A_8 : vector<16xi32>
    %add3A_10 = arith.constant 0 : i32
    %add3A_11 = vector.broadcast %add3A_10 : i32 to vector<16xi32>
    %add3A_12 = arith.addi %add3A_11, %iota3A : vector<16xi32>
    %mul3A_13 = arith.constant 4 : i32
    %mul3A_14 = vector.broadcast %mul3A_13 : i32 to vector<16xi32>
    %mul3A_15 = arith.muli %mul3A_14, %add3A_12 : vector<16xi32>
    %add3A_16 = arith.addi %mul3A_15, %shift_right_logical3A_9 : vector<16xi32>
    %gather3A = tpu.vector_load_idx %arg6[%add3A_16] : memref<128xf32, #tpu.memory_space<vmem>>[vector<16xi32>], vector<16xf32>,
    %get3A_17 = arith.constant 48 : index
    %get3A_18 = tpu.vector_load %arg7[%get3A_17] {strides = array<i32>} : memref<128xi32, #tpu.memory_space<vmem>>, vector<16xi32>,
    %shift_right_logical3A_19 = arith.constant 30 : i32
    %shift_right_logical3A_20 = vector.broadcast %shift_right_logical3A_19 : i32 to vector<16xi32>
    %shift_right_logical3A_21 = arith.shrui %get3A_18, %shift_right_logical3A_20 : vector<16xi32>
    %add3A_22 = arith.constant 16 : i32
    %add3A_23 = vector.broadcast %add3A_22 : i32 to vector<16xi32>
    %add3A_24 = arith.addi %add3A_23, %iota3A : vector<16xi32>
    %mul3A_25 = arith.constant 4 : i32
    %mul3A_26 = vector.broadcast %mul3A_25 : i32 to vector<16xi32>
    %mul3A_27 = arith.muli %mul3A_26, %add3A_24 : vector<16xi32>
    %add3A_28 = arith.addi %mul3A_27, %shift_right_logical3A_21 : vector<16xi32>
    %gather3A_29 = tpu.vector_load_idx %arg6[%add3A_28] : memref<128xf32, #tpu.memory_space<vmem>>[vector<16xi32>], vector<16xf32>,
    %get3A_30 = arith.constant 0 : index
    %get3A_31 = tpu.vector_load %arg7[%get3A_30] {strides = array<i32>} : memref<128xi32, #tpu.memory_space<vmem>>, vector<16xi32>,
    %shift_right_logical3A_32 = arith.constant 30 : i32
    %shift_right_logical3A_33 = vector.broadcast %shift_right_logical3A_32 : i32 to vector<16xi32>
    %shift_right_logical3A_34 = arith.shrui %get3A_31, %shift_right_logical3A_33 : vector<16xi32>
    %add3A_35 = arith.constant 0 : i32
    %add3A_36 = vector.broadcast %add3A_35 : i32 to vector<16xi32>
    %add3A_37 = arith.addi %add3A_36, %iota3A : vector<16xi32>
    %mul3A_38 = arith.constant 4 : i32
    %mul3A_39 = vector.broadcast %mul3A_38 : i32 to vector<16xi32>
    %mul3A_40 = arith.muli %mul3A_39, %add3A_37 : vector<16xi32>
    %add3A_41 = arith.addi %mul3A_40, %shift_right_logical3A_34 : vector<16xi32>
    %gather3A_42 = tpu.vector_load_idx %arg5[%add3A_41] : memref<128xf32, #tpu.memory_space<vmem>>[vector<16xi32>], vector<16xf32>,
    %get3A_43 = arith.constant 16 : index
    %get3A_44 = tpu.vector_load %arg7[%get3A_43] {strides = array<i32>} : memref<128xi32, #tpu.memory_space<vmem>>, vector<16xi32>,
    %shift_right_logical3A_45 = arith.constant 30 : i32
    %shift_right_logical3A_46 = vector.broadcast %shift_right_logical3A_45 : i32 to vector<16xi32>
    %shift_right_logical3A_47 = arith.shrui %get3A_44, %shift_right_logical3A_46 : vector<16xi32>
    %add3A_48 = arith.constant 16 : i32
    %add3A_49 = vector.broadcast %add3A_48 : i32 to vector<16xi32>
    %add3A_50 = arith.addi %add3A_49, %iota3A : vector<16xi32>
    %mul3A_51 = arith.constant 4 : i32
    %mul3A_52 = vector.broadcast %mul3A_51 : i32 to vector<16xi32>
    %mul3A_53 = arith.muli %mul3A_52, %add3A_50 : vector<16xi32>
    %add3A_54 = arith.addi %mul3A_53, %shift_right_logical3A_47 : vector<16xi32>
    %gather3A_55 = tpu.vector_load_idx %arg5[%add3A_54] : memref<128xf32, #tpu.memory_space<vmem>>[vector<16xi32>], vector<16xf32>,
    %add3A_56 = arith.constant 0 : i32
    %add3A_57 = arith.addi %add3A, %add3A_56 : i32
    %scan3A_58 = arith.constant 0 : i32
    %scan3A_59 = arith.constant 0 : i32
    %scan3A_60 = arith.constant 16 : i32
    %scan3A_61 = arith.addi %scan3A_59, %scan3A_60 : i32
    %scan3A_62 = arith.constant 1 : i32
    %scan3A_63 = scf.for %scan3A_274 = %scan3A_59 to %scan3A_61 step %scan3A_62 iter_args(%scan3A_275 = %scan3A_58) -> (i32)  : i32 {
      %broadcast_in_dim3A = arith.constant 0 : i32
      %broadcast_in_dim3A_276 = vector.broadcast %broadcast_in_dim3A : i32 to vector<16xi32>
      %add3A_277 = vector.broadcast %scan3A_274 : i32 to vector<16xi32>
      %add3A_278 = arith.addi %broadcast_in_dim3A_276, %add3A_277 : vector<16xi32>
      %lt3A = arith.constant 0 : i32
      %lt3A_279 = vector.broadcast %lt3A : i32 to vector<16xi32>
      %lt3A_280 = arith.cmpi slt, %add3A_278, %lt3A_279 : vector<16xi32>
      %add3A_281 = arith.constant 16 : i32
      %add3A_282 = vector.broadcast %add3A_281 : i32 to vector<16xi32>
      %add3A_283 = arith.addi %add3A_278, %add3A_282 : vector<16xi32>
      %select_n3A = arith.select %lt3A_280, %add3A_283, %add3A_278 : vector<16xi1>, vector<16xi32>
      %broadcast_in_dim3A_284 = vector.shape_cast %select_n3A : vector<16xi32> to vector<16x1xi32>
      %gather3A_285 = vector.shape_cast %broadcast_in_dim3A_284 : vector<16x1xi32> to vector<16xi32>
      %gather3A_286 = tpu.dynamic_gather %gather3A_42[%gather3A_285] in [0] : vector<16xf32>, vector<16xi32> -> vector<16xf32>
      %add3A_287 = arith.addf %gather3A_286, %gather3A : vector<16xf32>
      %add3A_288 = arith.constant 0 : i32
      %add3A_289 = arith.addi %add3A_288, %scan3A_274 : i32
      %swap3A = arith.constant 0 : i32
      %swap3A_290 = arith.index_cast %swap3A : i32 to index
      %swap3A_291 = arith.index_cast %add3A_289 : i32 to index
      %swap3A_292 = arith.constant 0 : index
      %swap3A_293 = tpu.vector_load %arg8[%swap3A_290, %swap3A_291, %swap3A_292] {strides = array<i32>} : memref<2x32x32xf32, #tpu.memory_space<vmem>>, vector<16xf32>,
      tpu.vector_store %arg8[%swap3A_290, %swap3A_291, %swap3A_292], %add3A_287 {strides = array<i32>} : memref<2x32x32xf32, #tpu.memory_space<vmem>>, vector<16xf32>,
      %add3A_294 = arith.addf %gather3A_286, %gather3A_29 : vector<16xf32>
      %add3A_295 = arith.constant 0 : i32
      %add3A_296 = arith.addi %add3A_295, %scan3A_274 : i32
      %swap3A_297 = arith.constant 0 : i32
      %swap3A_298 = arith.index_cast %swap3A_297 : i32 to index
      %swap3A_299 = arith.index_cast %add3A_296 : i32 to index
      %swap3A_300 = arith.constant 16 : index
      %swap3A_301 = tpu.vector_load %arg8[%swap3A_298, %swap3A_299, %swap3A_300] {strides = array<i32>} : memref<2x32x32xf32, #tpu.memory_space<vmem>>, vector<16xf32>,
      tpu.vector_store %arg8[%swap3A_298, %swap3A_299, %swap3A_300], %add3A_294 {strides = array<i32>} : memref<2x32x32xf32, #tpu.memory_space<vmem>>, vector<16xf32>,
      %scan3A_302 = arith.constant 0 : i32
      scf.yield %scan3A_302 : i32
    }
    %scan3A_64 = arith.constant 16 : i32
    %dma_start3A = arith.constant 0 : i32
    %dma_start3A_65 = arith.constant 0 : i32
    %dma_start3A_66 = arith.constant 0 : i32
    %dma_start3A_67 = tpu.memref_slice %arg8[%dma_start3A, %dma_start3A_65, %dma_start3A_66] : memref<2x32x32xf32, #tpu.memory_space<vmem>> -> memref<1x16x32xf32, #tpu.memory_space<vmem>>
    %dma_start3A_68 = tpu.memref_squeeze %dma_start3A_67 : memref<1x16x32xf32, #tpu.memory_space<vmem>> -> memref<16x32xf32, #tpu.memory_space<vmem>>
    %dma_start3A_69 = arith.constant 0 : i32
    %dma_start3A_70 = arith.constant 0 : i32
    %dma_start3A_71 = tpu.memref_slice %arg4[%add3A_57, %dma_start3A_69, %dma_start3A_70] : memref<32x32x32xf32, #tpu.memory_space<hbm>> -> memref<1x16x32xf32, #tpu.memory_space<hbm>>
    %dma_start3A_72 = tpu.memref_squeeze %dma_start3A_71 : memref<1x16x32xf32, #tpu.memory_space<hbm>> -> memref<16x32xf32, #tpu.memory_space<hbm>>
    %dma_start3A_73 = arith.constant 0 : i32
    %dma_start3A_74 = arith.constant 0 : i32
    %dma_start3A_75 = tpu.memref_slice %arg4[%add3A_57, %dma_start3A_73, %dma_start3A_74] : memref<32x32x32xf32, #tpu.memory_space<hbm>> -> memref<1x16x32xf32, #tpu.memory_space<hbm>>
    %dma_start3A_76 = tpu.memref_squeeze %dma_start3A_75 : memref<1x16x32xf32, #tpu.memory_space<hbm>> -> memref<16x32xf32, #tpu.memory_space<hbm>>
    %dma_start3A_77 = arith.constant 0 : i32
    %dma_start3A_78 = arith.constant 0 : i32
    %dma_start3A_79 = tpu.memref_slice %arg8[%dma_start3A, %dma_start3A_77, %dma_start3A_78] : memref<2x32x32xf32, #tpu.memory_space<vmem>> -> memref<1x16x32xf32, #tpu.memory_space<vmem>>
    %dma_start3A_80 = tpu.memref_squeeze %dma_start3A_79 : memref<1x16x32xf32, #tpu.memory_space<vmem>> -> memref<16x32xf32, #tpu.memory_space<vmem>>
    tpu.enqueue_dma source(%dma_start3A_80 : memref<16x32xf32, #tpu.memory_space<vmem>>) target(%dma_start3A_76 : memref<16x32xf32, #tpu.memory_space<hbm>>) target_semaphore(%arg10 : memref<!tpu.dma_semaphore, #tpu.memory_space<semaphore_mem>>)
    %scan3A_81 = arith.constant 0 : i32
    %scan3A_82 = arith.constant 0 : i32
    %scan3A_83 = arith.constant 16 : i32
    %scan3A_84 = arith.addi %scan3A_82, %scan3A_83 : i32
    %scan3A_85 = arith.constant 1 : i32
    %scan3A_86 = scf.for %scan3A_274 = %scan3A_82 to %scan3A_84 step %scan3A_85 iter_args(%scan3A_275 = %scan3A_81) -> (i32)  : i32 {
      %broadcast_in_dim3A = arith.constant 0 : i32
      %broadcast_in_dim3A_276 = vector.broadcast %broadcast_in_dim3A : i32 to vector<16xi32>
      %add3A_277 = vector.broadcast %scan3A_274 : i32 to vector<16xi32>
      %add3A_278 = arith.addi %broadcast_in_dim3A_276, %add3A_277 : vector<16xi32>
      %lt3A = arith.constant 0 : i32
      %lt3A_279 = vector.broadcast %lt3A : i32 to vector<16xi32>
      %lt3A_280 = arith.cmpi slt, %add3A_278, %lt3A_279 : vector<16xi32>
      %add3A_281 = arith.constant 16 : i32
      %add3A_282 = vector.broadcast %add3A_281 : i32 to vector<16xi32>
      %add3A_283 = arith.addi %add3A_278, %add3A_282 : vector<16xi32>
      %select_n3A = arith.select %lt3A_280, %add3A_283, %add3A_278 : vector<16xi1>, vector<16xi32>
      %broadcast_in_dim3A_284 = vector.shape_cast %select_n3A : vector<16xi32> to vector<16x1xi32>
      %gather3A_285 = vector.shape_cast %broadcast_in_dim3A_284 : vector<16x1xi32> to vector<16xi32>
      %gather3A_286 = tpu.dynamic_gather %gather3A_55[%gather3A_285] in [0] : vector<16xf32>, vector<16xi32> -> vector<16xf32>
      %add3A_287 = arith.addf %gather3A_286, %gather3A : vector<16xf32>
      %add3A_288 = arith.constant 16 : i32
      %add3A_289 = arith.addi %add3A_288, %scan3A_274 : i32
      %swap3A = arith.constant 0 : i32
      %swap3A_290 = arith.index_cast %swap3A : i32 to index
      %swap3A_291 = arith.index_cast %add3A_289 : i32 to index
      %swap3A_292 = arith.constant 0 : index
      %swap3A_293 = tpu.vector_load %arg8[%swap3A_290, %swap3A_291, %swap3A_292] {strides = array<i32>} : memref<2x32x32xf32, #tpu.memory_space<vmem>>, vector<16xf32>,
      tpu.vector_store %arg8[%swap3A_290, %swap3A_291, %swap3A_292], %add3A_287 {strides = array<i32>} : memref<2x32x32xf32, #tpu.memory_space<vmem>>, vector<16xf32>,
      %add3A_294 = arith.addf %gather3A_286, %gather3A_29 : vector<16xf32>
      %add3A_295 = arith.constant 16 : i32
      %add3A_296 = arith.addi %add3A_295, %scan3A_274 : i32
      %swap3A_297 = arith.constant 0 : i32
      %swap3A_298 = arith.index_cast %swap3A_297 : i32 to index
      %swap3A_299 = arith.index_cast %add3A_296 : i32 to index
      %swap3A_300 = arith.constant 16 : index
      %swap3A_301 = tpu.vector_load %arg8[%swap3A_298, %swap3A_299, %swap3A_300] {strides = array<i32>} : memref<2x32x32xf32, #tpu.memory_space<vmem>>, vector<16xf32>,
      tpu.vector_store %arg8[%swap3A_298, %swap3A_299, %swap3A_300], %add3A_294 {strides = array<i32>} : memref<2x32x32xf32, #tpu.memory_space<vmem>>, vector<16xf32>,
      %scan3A_302 = arith.constant 0 : i32
      scf.yield %scan3A_302 : i32
    }
    %scan3A_87 = arith.constant 16 : i32
    %dma_start3A_88 = arith.constant 0 : i32
    %dma_start3A_89 = arith.constant 16 : i32
    %dma_start3A_90 = arith.constant 0 : i32
    %dma_start3A_91 = tpu.memref_slice %arg8[%dma_start3A_88, %dma_start3A_89, %dma_start3A_90] : memref<2x32x32xf32, #tpu.memory_space<vmem>> -> memref<1x16x32xf32, #tpu.memory_space<vmem>>
    %dma_start3A_92 = tpu.memref_squeeze %dma_start3A_91 : memref<1x16x32xf32, #tpu.memory_space<vmem>> -> memref<16x32xf32, #tpu.memory_space<vmem>>
    %dma_start3A_93 = arith.constant 16 : i32
    %dma_start3A_94 = arith.constant 0 : i32
    %dma_start3A_95 = tpu.memref_slice %arg4[%add3A_57, %dma_start3A_93, %dma_start3A_94] : memref<32x32x32xf32, #tpu.memory_space<hbm>> -> memref<1x16x32xf32, #tpu.memory_space<hbm>>
    %dma_start3A_96 = tpu.memref_squeeze %dma_start3A_95 : memref<1x16x32xf32, #tpu.memory_space<hbm>> -> memref<16x32xf32, #tpu.memory_space<hbm>>
    %dma_start3A_97 = arith.constant 16 : i32
    %dma_start3A_98 = arith.constant 0 : i32
    %dma_start3A_99 = tpu.memref_slice %arg4[%add3A_57, %dma_start3A_97, %dma_start3A_98] : memref<32x32x32xf32, #tpu.memory_space<hbm>> -> memref<1x16x32xf32, #tpu.memory_space<hbm>>
    %dma_start3A_100 = tpu.memref_squeeze %dma_start3A_99 : memref<1x16x32xf32, #tpu.memory_space<hbm>> -> memref<16x32xf32, #tpu.memory_space<hbm>>
    %dma_start3A_101 = arith.constant 16 : i32
    %dma_start3A_102 = arith.constant 0 : i32
    %dma_start3A_103 = tpu.memref_slice %arg8[%dma_start3A_88, %dma_start3A_101, %dma_start3A_102] : memref<2x32x32xf32, #tpu.memory_space<vmem>> -> memref<1x16x32xf32, #tpu.memory_space<vmem>>
    %dma_start3A_104 = tpu.memref_squeeze %dma_start3A_103 : memref<1x16x32xf32, #tpu.memory_space<vmem>> -> memref<16x32xf32, #tpu.memory_space<vmem>>
    tpu.enqueue_dma source(%dma_start3A_104 : memref<16x32xf32, #tpu.memory_space<vmem>>) target(%dma_start3A_100 : memref<16x32xf32, #tpu.memory_space<hbm>>) target_semaphore(%arg10 : memref<!tpu.dma_semaphore, #tpu.memory_space<semaphore_mem>>)
    %get3A_105 = arith.constant 96 : index
    %get3A_106 = tpu.vector_load %arg7[%get3A_105] {strides = array<i32>} : memref<128xi32, #tpu.memory_space<vmem>>, vector<16xi32>,
    %shift_right_logical3A_107 = arith.constant 30 : i32
    %shift_right_logical3A_108 = vector.broadcast %shift_right_logical3A_107 : i32 to vector<16xi32>
    %shift_right_logical3A_109 = arith.shrui %get3A_106, %shift_right_logical3A_108 : vector<16xi32>
    %add3A_110 = arith.constant 0 : i32
    %add3A_111 = vector.broadcast %add3A_110 : i32 to vector<16xi32>
    %add3A_112 = arith.addi %add3A_111, %iota3A : vector<16xi32>
    %mul3A_113 = arith.constant 4 : i32
    %mul3A_114 = vector.broadcast %mul3A_113 : i32 to vector<16xi32>
    %mul3A_115 = arith.muli %mul3A_114, %add3A_112 : vector<16xi32>
    %add3A_116 = arith.addi %mul3A_115, %shift_right_logical3A_109 : vector<16xi32>
    %gather3A_117 = tpu.vector_load_idx %arg6[%add3A_116] : memref<128xf32, #tpu.memory_space<vmem>>[vector<16xi32>], vector<16xf32>,
    %get3A_118 = arith.constant 112 : index
    %get3A_119 = tpu.vector_load %arg7[%get3A_118] {strides = array<i32>} : memref<128xi32, #tpu.memory_space<vmem>>, vector<16xi32>,
    %shift_right_logical3A_120 = arith.constant 30 : i32
    %shift_right_logical3A_121 = vector.broadcast %shift_right_logical3A_120 : i32 to vector<16xi32>
    %shift_right_logical3A_122 = arith.shrui %get3A_119, %shift_right_logical3A_121 : vector<16xi32>
    %add3A_123 = arith.constant 16 : i32
    %add3A_124 = vector.broadcast %add3A_123 : i32 to vector<16xi32>
    %add3A_125 = arith.addi %add3A_124, %iota3A : vector<16xi32>
    %mul3A_126 = arith.constant 4 : i32
    %mul3A_127 = vector.broadcast %mul3A_126 : i32 to vector<16xi32>
    %mul3A_128 = arith.muli %mul3A_127, %add3A_125 : vector<16xi32>
    %add3A_129 = arith.addi %mul3A_128, %shift_right_logical3A_122 : vector<16xi32>
    %gather3A_130 = tpu.vector_load_idx %arg6[%add3A_129] : memref<128xf32, #tpu.memory_space<vmem>>[vector<16xi32>], vector<16xf32>,
    %get3A_131 = arith.constant 64 : index
    %get3A_132 = tpu.vector_load %arg7[%get3A_131] {strides = array<i32>} : memref<128xi32, #tpu.memory_space<vmem>>, vector<16xi32>,
    %shift_right_logical3A_133 = arith.constant 30 : i32
    %shift_right_logical3A_134 = vector.broadcast %shift_right_logical3A_133 : i32 to vector<16xi32>
    %shift_right_logical3A_135 = arith.shrui %get3A_132, %shift_right_logical3A_134 : vector<16xi32>
    %add3A_136 = arith.constant 0 : i32
    %add3A_137 = vector.broadcast %add3A_136 : i32 to vector<16xi32>
    %add3A_138 = arith.addi %add3A_137, %iota3A : vector<16xi32>
    %mul3A_139 = arith.constant 4 : i32
    %mul3A_140 = vector.broadcast %mul3A_139 : i32 to vector<16xi32>
    %mul3A_141 = arith.muli %mul3A_140, %add3A_138 : vector<16xi32>
    %add3A_142 = arith.addi %mul3A_141, %shift_right_logical3A_135 : vector<16xi32>
    %gather3A_143 = tpu.vector_load_idx %arg5[%add3A_142] : memref<128xf32, #tpu.memory_space<vmem>>[vector<16xi32>], vector<16xf32>,
    %get3A_144 = arith.constant 80 : index
    %get3A_145 = tpu.vector_load %arg7[%get3A_144] {strides = array<i32>} : memref<128xi32, #tpu.memory_space<vmem>>, vector<16xi32>,
    %shift_right_logical3A_146 = arith.constant 30 : i32
    %shift_right_logical3A_147 = vector.broadcast %shift_right_logical3A_146 : i32 to vector<16xi32>
    %shift_right_logical3A_148 = arith.shrui %get3A_145, %shift_right_logical3A_147 : vector<16xi32>
    %add3A_149 = arith.constant 16 : i32
    %add3A_150 = vector.broadcast %add3A_149 : i32 to vector<16xi32>
    %add3A_151 = arith.addi %add3A_150, %iota3A : vector<16xi32>
    %mul3A_152 = arith.constant 4 : i32
    %mul3A_153 = vector.broadcast %mul3A_152 : i32 to vector<16xi32>
    %mul3A_154 = arith.muli %mul3A_153, %add3A_151 : vector<16xi32>
    %add3A_155 = arith.addi %mul3A_154, %shift_right_logical3A_148 : vector<16xi32>
    %gather3A_156 = tpu.vector_load_idx %arg5[%add3A_155] : memref<128xf32, #tpu.memory_space<vmem>>[vector<16xi32>], vector<16xf32>,
    %add3A_157 = arith.constant 16 : i32
    %add3A_158 = arith.addi %add3A, %add3A_157 : i32
    %scan3A_159 = arith.constant 0 : i32
    %scan3A_160 = arith.constant 0 : i32
    %scan3A_161 = arith.constant 16 : i32
    %scan3A_162 = arith.addi %scan3A_160, %scan3A_161 : i32
    %scan3A_163 = arith.constant 1 : i32
    %scan3A_164 = scf.for %scan3A_274 = %scan3A_160 to %scan3A_162 step %scan3A_163 iter_args(%scan3A_275 = %scan3A_159) -> (i32)  : i32 {
      %broadcast_in_dim3A = arith.constant 0 : i32
      %broadcast_in_dim3A_276 = vector.broadcast %broadcast_in_dim3A : i32 to vector<16xi32>
      %add3A_277 = vector.broadcast %scan3A_274 : i32 to vector<16xi32>
      %add3A_278 = arith.addi %broadcast_in_dim3A_276, %add3A_277 : vector<16xi32>
      %lt3A = arith.constant 0 : i32
      %lt3A_279 = vector.broadcast %lt3A : i32 to vector<16xi32>
      %lt3A_280 = arith.cmpi slt, %add3A_278, %lt3A_279 : vector<16xi32>
      %add3A_281 = arith.constant 16 : i32
      %add3A_282 = vector.broadcast %add3A_281 : i32 to vector<16xi32>
      %add3A_283 = arith.addi %add3A_278, %add3A_282 : vector<16xi32>
      %select_n3A = arith.select %lt3A_280, %add3A_283, %add3A_278 : vector<16xi1>, vector<16xi32>
      %broadcast_in_dim3A_284 = vector.shape_cast %select_n3A : vector<16xi32> to vector<16x1xi32>
      %gather3A_285 = vector.shape_cast %broadcast_in_dim3A_284 : vector<16x1xi32> to vector<16xi32>
      %gather3A_286 = tpu.dynamic_gather %gather3A_143[%gather3A_285] in [0] : vector<16xf32>, vector<16xi32> -> vector<16xf32>
      %add3A_287 = arith.addf %gather3A_286, %gather3A_117 : vector<16xf32>
      %add3A_288 = arith.constant 0 : i32
      %add3A_289 = arith.addi %add3A_288, %scan3A_274 : i32
      %swap3A = arith.constant 1 : i32
      %swap3A_290 = arith.index_cast %swap3A : i32 to index
      %swap3A_291 = arith.index_cast %add3A_289 : i32 to index
      %swap3A_292 = arith.constant 0 : index
      %swap3A_293 = tpu.vector_load %arg8[%swap3A_290, %swap3A_291, %swap3A_292] {strides = array<i32>} : memref<2x32x32xf32, #tpu.memory_space<vmem>>, vector<16xf32>,
      tpu.vector_store %arg8[%swap3A_290, %swap3A_291, %swap3A_292], %add3A_287 {strides = array<i32>} : memref<2x32x32xf32, #tpu.memory_space<vmem>>, vector<16xf32>,
      %add3A_294 = arith.addf %gather3A_286, %gather3A_130 : vector<16xf32>
      %add3A_295 = arith.constant 0 : i32
      %add3A_296 = arith.addi %add3A_295, %scan3A_274 : i32
      %swap3A_297 = arith.constant 1 : i32
      %swap3A_298 = arith.index_cast %swap3A_297 : i32 to index
      %swap3A_299 = arith.index_cast %add3A_296 : i32 to index
      %swap3A_300 = arith.constant 16 : index
      %swap3A_301 = tpu.vector_load %arg8[%swap3A_298, %swap3A_299, %swap3A_300] {strides = array<i32>} : memref<2x32x32xf32, #tpu.memory_space<vmem>>, vector<16xf32>,
      tpu.vector_store %arg8[%swap3A_298, %swap3A_299, %swap3A_300], %add3A_294 {strides = array<i32>} : memref<2x32x32xf32, #tpu.memory_space<vmem>>, vector<16xf32>,
      %scan3A_302 = arith.constant 0 : i32
      scf.yield %scan3A_302 : i32
    }
    %scan3A_165 = arith.constant 16 : i32
    %dma_start3A_166 = arith.constant 1 : i32
    %dma_start3A_167 = arith.constant 0 : i32
    %dma_start3A_168 = arith.constant 0 : i32
    %dma_start3A_169 = tpu.memref_slice %arg8[%dma_start3A_166, %dma_start3A_167, %dma_start3A_168] : memref<2x32x32xf32, #tpu.memory_space<vmem>> -> memref<1x16x32xf32, #tpu.memory_space<vmem>>
    %dma_start3A_170 = tpu.memref_squeeze %dma_start3A_169 : memref<1x16x32xf32, #tpu.memory_space<vmem>> -> memref<16x32xf32, #tpu.memory_space<vmem>>
    %dma_start3A_171 = arith.constant 0 : i32
    %dma_start3A_172 = arith.constant 0 : i32
    %dma_start3A_173 = tpu.memref_slice %arg4[%add3A_158, %dma_start3A_171, %dma_start3A_172] : memref<32x32x32xf32, #tpu.memory_space<hbm>> -> memref<1x16x32xf32, #tpu.memory_space<hbm>>
    %dma_start3A_174 = tpu.memref_squeeze %dma_start3A_173 : memref<1x16x32xf32, #tpu.memory_space<hbm>> -> memref<16x32xf32, #tpu.memory_space<hbm>>
    %dma_start3A_175 = arith.constant 0 : i32
    %dma_start3A_176 = arith.constant 0 : i32
    %dma_start3A_177 = tpu.memref_slice %arg4[%add3A_158, %dma_start3A_175, %dma_start3A_176] : memref<32x32x32xf32, #tpu.memory_space<hbm>> -> memref<1x16x32xf32, #tpu.memory_space<hbm>>
    %dma_start3A_178 = tpu.memref_squeeze %dma_start3A_177 : memref<1x16x32xf32, #tpu.memory_space<hbm>> -> memref<16x32xf32, #tpu.memory_space<hbm>>
    %dma_start3A_179 = arith.constant 0 : i32
    %dma_start3A_180 = arith.constant 0 : i32
    %dma_start3A_181 = tpu.memref_slice %arg8[%dma_start3A_166, %dma_start3A_179, %dma_start3A_180] : memref<2x32x32xf32, #tpu.memory_space<vmem>> -> memref<1x16x32xf32, #tpu.memory_space<vmem>>
    %dma_start3A_182 = tpu.memref_squeeze %dma_start3A_181 : memref<1x16x32xf32, #tpu.memory_space<vmem>> -> memref<16x32xf32, #tpu.memory_space<vmem>>
    tpu.enqueue_dma source(%dma_start3A_182 : memref<16x32xf32, #tpu.memory_space<vmem>>) target(%dma_start3A_178 : memref<16x32xf32, #tpu.memory_space<hbm>>) target_semaphore(%arg10 : memref<!tpu.dma_semaphore, #tpu.memory_space<semaphore_mem>>)
    %scan3A_183 = arith.constant 0 : i32
    %scan3A_184 = arith.constant 0 : i32
    %scan3A_185 = arith.constant 16 : i32
    %scan3A_186 = arith.addi %scan3A_184, %scan3A_185 : i32
    %scan3A_187 = arith.constant 1 : i32
    %scan3A_188 = scf.for %scan3A_274 = %scan3A_184 to %scan3A_186 step %scan3A_187 iter_args(%scan3A_275 = %scan3A_183) -> (i32)  : i32 {
      %broadcast_in_dim3A = arith.constant 0 : i32
      %broadcast_in_dim3A_276 = vector.broadcast %broadcast_in_dim3A : i32 to vector<16xi32>
      %add3A_277 = vector.broadcast %scan3A_274 : i32 to vector<16xi32>
      %add3A_278 = arith.addi %broadcast_in_dim3A_276, %add3A_277 : vector<16xi32>
      %lt3A = arith.constant 0 : i32
      %lt3A_279 = vector.broadcast %lt3A : i32 to vector<16xi32>
      %lt3A_280 = arith.cmpi slt, %add3A_278, %lt3A_279 : vector<16xi32>
      %add3A_281 = arith.constant 16 : i32
      %add3A_282 = vector.broadcast %add3A_281 : i32 to vector<16xi32>
      %add3A_283 = arith.addi %add3A_278, %add3A_282 : vector<16xi32>
      %select_n3A = arith.select %lt3A_280, %add3A_283, %add3A_278 : vector<16xi1>, vector<16xi32>
      %broadcast_in_dim3A_284 = vector.shape_cast %select_n3A : vector<16xi32> to vector<16x1xi32>
      %gather3A_285 = vector.shape_cast %broadcast_in_dim3A_284 : vector<16x1xi32> to vector<16xi32>
      %gather3A_286 = tpu.dynamic_gather %gather3A_156[%gather3A_285] in [0] : vector<16xf32>, vector<16xi32> -> vector<16xf32>
      %add3A_287 = arith.addf %gather3A_286, %gather3A_117 : vector<16xf32>
      %add3A_288 = arith.constant 16 : i32
      %add3A_289 = arith.addi %add3A_288, %scan3A_274 : i32
      %swap3A = arith.constant 1 : i32
      %swap3A_290 = arith.index_cast %swap3A : i32 to index
      %swap3A_291 = arith.index_cast %add3A_289 : i32 to index
      %swap3A_292 = arith.constant 0 : index
      %swap3A_293 = tpu.vector_load %arg8[%swap3A_290, %swap3A_291, %swap3A_292] {strides = array<i32>} : memref<2x32x32xf32, #tpu.memory_space<vmem>>, vector<16xf32>,
      tpu.vector_store %arg8[%swap3A_290, %swap3A_291, %swap3A_292], %add3A_287 {strides = array<i32>} : memref<2x32x32xf32, #tpu.memory_space<vmem>>, vector<16xf32>,
      %add3A_294 = arith.addf %gather3A_286, %gather3A_130 : vector<16xf32>
      %add3A_295 = arith.constant 16 : i32
      %add3A_296 = arith.addi %add3A_295, %scan3A_274 : i32
      %swap3A_297 = arith.constant 1 : i32
      %swap3A_298 = arith.index_cast %swap3A_297 : i32 to index
      %swap3A_299 = arith.index_cast %add3A_296 : i32 to index
      %swap3A_300 = arith.constant 16 : index
      %swap3A_301 = tpu.vector_load %arg8[%swap3A_298, %swap3A_299, %swap3A_300] {strides = array<i32>} : memref<2x32x32xf32, #tpu.memory_space<vmem>>, vector<16xf32>,
      tpu.vector_store %arg8[%swap3A_298, %swap3A_299, %swap3A_300], %add3A_294 {strides = array<i32>} : memref<2x32x32xf32, #tpu.memory_space<vmem>>, vector<16xf32>,
      %scan3A_302 = arith.constant 0 : i32
      scf.yield %scan3A_302 : i32
    }
    %scan3A_189 = arith.constant 16 : i32
    %dma_start3A_190 = arith.constant 1 : i32
    %dma_start3A_191 = arith.constant 16 : i32
    %dma_start3A_192 = arith.constant 0 : i32
    %dma_start3A_193 = tpu.memref_slice %arg8[%dma_start3A_190, %dma_start3A_191, %dma_start3A_192] : memref<2x32x32xf32, #tpu.memory_space<vmem>> -> memref<1x16x32xf32, #tpu.memory_space<vmem>>
    %dma_start3A_194 = tpu.memref_squeeze %dma_start3A_193 : memref<1x16x32xf32, #tpu.memory_space<vmem>> -> memref<16x32xf32, #tpu.memory_space<vmem>>
    %dma_start3A_195 = arith.constant 16 : i32
    %dma_start3A_196 = arith.constant 0 : i32
    %dma_start3A_197 = tpu.memref_slice %arg4[%add3A_158, %dma_start3A_195, %dma_start3A_196] : memref<32x32x32xf32, #tpu.memory_space<hbm>> -> memref<1x16x32xf32, #tpu.memory_space<hbm>>
    %dma_start3A_198 = tpu.memref_squeeze %dma_start3A_197 : memref<1x16x32xf32, #tpu.memory_space<hbm>> -> memref<16x32xf32, #tpu.memory_space<hbm>>
    %dma_start3A_199 = arith.constant 16 : i32
    %dma_start3A_200 = arith.constant 0 : i32
    %dma_start3A_201 = tpu.memref_slice %arg4[%add3A_158, %dma_start3A_199, %dma_start3A_200] : memref<32x32x32xf32, #tpu.memory_space<hbm>> -> memref<1x16x32xf32, #tpu.memory_space<hbm>>
    %dma_start3A_202 = tpu.memref_squeeze %dma_start3A_201 : memref<1x16x32xf32, #tpu.memory_space<hbm>> -> memref<16x32xf32, #tpu.memory_space<hbm>>
    %dma_start3A_203 = arith.constant 16 : i32
    %dma_start3A_204 = arith.constant 0 : i32
    %dma_start3A_205 = tpu.memref_slice %arg8[%dma_start3A_190, %dma_start3A_203, %dma_start3A_204] : memref<2x32x32xf32, #tpu.memory_space<vmem>> -> memref<1x16x32xf32, #tpu.memory_space<vmem>>
    %dma_start3A_206 = tpu.memref_squeeze %dma_start3A_205 : memref<1x16x32xf32, #tpu.memory_space<vmem>> -> memref<16x32xf32, #tpu.memory_space<vmem>>
    tpu.enqueue_dma source(%dma_start3A_206 : memref<16x32xf32, #tpu.memory_space<vmem>>) target(%dma_start3A_202 : memref<16x32xf32, #tpu.memory_space<hbm>>) target_semaphore(%arg10 : memref<!tpu.dma_semaphore, #tpu.memory_space<semaphore_mem>>)
    %dma_wait3A = arith.constant 0 : i32
    %dma_wait3A_207 = arith.constant 0 : i32
    %dma_wait3A_208 = arith.constant 0 : i32
    %dma_wait3A_209 = tpu.memref_slice %arg8[%dma_wait3A, %dma_wait3A_207, %dma_wait3A_208] : memref<2x32x32xf32, #tpu.memory_space<vmem>> -> memref<1x16x32xf32, #tpu.memory_space<vmem>>
    %dma_wait3A_210 = tpu.memref_squeeze %dma_wait3A_209 : memref<1x16x32xf32, #tpu.memory_space<vmem>> -> memref<16x32xf32, #tpu.memory_space<vmem>>
    %dma_wait3A_211 = arith.constant 0 : i32
    %dma_wait3A_212 = arith.constant 0 : i32
    %dma_wait3A_213 = tpu.memref_slice %arg4[%add3A_57, %dma_wait3A_211, %dma_wait3A_212] : memref<32x32x32xf32, #tpu.memory_space<hbm>> -> memref<1x16x32xf32, #tpu.memory_space<hbm>>
    %dma_wait3A_214 = tpu.memref_squeeze %dma_wait3A_213 : memref<1x16x32xf32, #tpu.memory_space<hbm>> -> memref<16x32xf32, #tpu.memory_space<hbm>>
    %dma_wait3A_215 = arith.constant 0 : i32
    %dma_wait3A_216 = arith.constant 0 : i32
    %dma_wait3A_217 = tpu.memref_slice %arg4[%add3A_57, %dma_wait3A_215, %dma_wait3A_216] : memref<32x32x32xf32, #tpu.memory_space<hbm>> -> memref<1x16x32xf32, #tpu.memory_space<hbm>>
    %dma_wait3A_218 = tpu.memref_squeeze %dma_wait3A_217 : memref<1x16x32xf32, #tpu.memory_space<hbm>> -> memref<16x32xf32, #tpu.memory_space<hbm>>
    %dma_wait3A_219 = arith.constant 0 : i32
    %dma_wait3A_220 = arith.constant 0 : i32
    %dma_wait3A_221 = tpu.memref_slice %arg8[%dma_wait3A, %dma_wait3A_219, %dma_wait3A_220] : memref<2x32x32xf32, #tpu.memory_space<vmem>> -> memref<1x16x32xf32, #tpu.memory_space<vmem>>
    %dma_wait3A_222 = tpu.memref_squeeze %dma_wait3A_221 : memref<1x16x32xf32, #tpu.memory_space<vmem>> -> memref<16x32xf32, #tpu.memory_space<vmem>>
    tpu.wait_dma2 semaphore(%arg10 : memref<!tpu.dma_semaphore, #tpu.memory_space<semaphore_mem>>) src(%dma_wait3A_222 : memref<16x32xf32, #tpu.memory_space<vmem>>) dst(%dma_wait3A_218 : memref<16x32xf32, #tpu.memory_space<hbm>>)
    %dma_wait3A_223 = arith.constant 0 : i32
    %dma_wait3A_224 = arith.constant 16 : i32
    %dma_wait3A_225 = arith.constant 0 : i32
    %dma_wait3A_226 = tpu.memref_slice %arg8[%dma_wait3A_223, %dma_wait3A_224, %dma_wait3A_225] : memref<2x32x32xf32, #tpu.memory_space<vmem>> -> memref<1x16x32xf32, #tpu.memory_space<vmem>>
    %dma_wait3A_227 = tpu.memref_squeeze %dma_wait3A_226 : memref<1x16x32xf32, #tpu.memory_space<vmem>> -> memref<16x32xf32, #tpu.memory_space<vmem>>
    %dma_wait3A_228 = arith.constant 16 : i32
    %dma_wait3A_229 = arith.constant 0 : i32
    %dma_wait3A_230 = tpu.memref_slice %arg4[%add3A_57, %dma_wait3A_228, %dma_wait3A_229] : memref<32x32x32xf32, #tpu.memory_space<hbm>> -> memref<1x16x32xf32, #tpu.memory_space<hbm>>
    %dma_wait3A_231 = tpu.memref_squeeze %dma_wait3A_230 : memref<1x16x32xf32, #tpu.memory_space<hbm>> -> memref<16x32xf32, #tpu.memory_space<hbm>>
    %dma_wait3A_232 = arith.constant 16 : i32
    %dma_wait3A_233 = arith.constant 0 : i32
    %dma_wait3A_234 = tpu.memref_slice %arg4[%add3A_57, %dma_wait3A_232, %dma_wait3A_233] : memref<32x32x32xf32, #tpu.memory_space<hbm>> -> memref<1x16x32xf32, #tpu.memory_space<hbm>>
    %dma_wait3A_235 = tpu.memref_squeeze %dma_wait3A_234 : memref<1x16x32xf32, #tpu.memory_space<hbm>> -> memref<16x32xf32, #tpu.memory_space<hbm>>
    %dma_wait3A_236 = arith.constant 16 : i32
    %dma_wait3A_237 = arith.constant 0 : i32
    %dma_wait3A_238 = tpu.memref_slice %arg8[%dma_wait3A_223, %dma_wait3A_236, %dma_wait3A_237] : memref<2x32x32xf32, #tpu.memory_space<vmem>> -> memref<1x16x32xf32, #tpu.memory_space<vmem>>
    %dma_wait3A_239 = tpu.memref_squeeze %dma_wait3A_238 : memref<1x16x32xf32, #tpu.memory_space<vmem>> -> memref<16x32xf32, #tpu.memory_space<vmem>>
    tpu.wait_dma2 semaphore(%arg10 : memref<!tpu.dma_semaphore, #tpu.memory_space<semaphore_mem>>) src(%dma_wait3A_239 : memref<16x32xf32, #tpu.memory_space<vmem>>) dst(%dma_wait3A_235 : memref<16x32xf32, #tpu.memory_space<hbm>>)
    %dma_wait3A_240 = arith.constant 1 : i32
    %dma_wait3A_241 = arith.constant 0 : i32
    %dma_wait3A_242 = arith.constant 0 : i32
    %dma_wait3A_243 = tpu.memref_slice %arg8[%dma_wait3A_240, %dma_wait3A_241, %dma_wait3A_242] : memref<2x32x32xf32, #tpu.memory_space<vmem>> -> memref<1x16x32xf32, #tpu.memory_space<vmem>>
    %dma_wait3A_244 = tpu.memref_squeeze %dma_wait3A_243 : memref<1x16x32xf32, #tpu.memory_space<vmem>> -> memref<16x32xf32, #tpu.memory_space<vmem>>
    %dma_wait3A_245 = arith.constant 0 : i32
    %dma_wait3A_246 = arith.constant 0 : i32
    %dma_wait3A_247 = tpu.memref_slice %arg4[%add3A_158, %dma_wait3A_245, %dma_wait3A_246] : memref<32x32x32xf32, #tpu.memory_space<hbm>> -> memref<1x16x32xf32, #tpu.memory_space<hbm>>
    %dma_wait3A_248 = tpu.memref_squeeze %dma_wait3A_247 : memref<1x16x32xf32, #tpu.memory_space<hbm>> -> memref<16x32xf32, #tpu.memory_space<hbm>>
    %dma_wait3A_249 = arith.constant 0 : i32
    %dma_wait3A_250 = arith.constant 0 : i32
    %dma_wait3A_251 = tpu.memref_slice %arg4[%add3A_158, %dma_wait3A_249, %dma_wait3A_250] : memref<32x32x32xf32, #tpu.memory_space<hbm>> -> memref<1x16x32xf32, #tpu.memory_space<hbm>>
    %dma_wait3A_252 = tpu.memref_squeeze %dma_wait3A_251 : memref<1x16x32xf32, #tpu.memory_space<hbm>> -> memref<16x32xf32, #tpu.memory_space<hbm>>
    %dma_wait3A_253 = arith.constant 0 : i32
    %dma_wait3A_254 = arith.constant 0 : i32
    %dma_wait3A_255 = tpu.memref_slice %arg8[%dma_wait3A_240, %dma_wait3A_253, %dma_wait3A_254] : memref<2x32x32xf32, #tpu.memory_space<vmem>> -> memref<1x16x32xf32, #tpu.memory_space<vmem>>
    %dma_wait3A_256 = tpu.memref_squeeze %dma_wait3A_255 : memref<1x16x32xf32, #tpu.memory_space<vmem>> -> memref<16x32xf32, #tpu.memory_space<vmem>>
    tpu.wait_dma2 semaphore(%arg10 : memref<!tpu.dma_semaphore, #tpu.memory_space<semaphore_mem>>) src(%dma_wait3A_256 : memref<16x32xf32, #tpu.memory_space<vmem>>) dst(%dma_wait3A_252 : memref<16x32xf32, #tpu.memory_space<hbm>>)
    %dma_wait3A_257 = arith.constant 1 : i32
    %dma_wait3A_258 = arith.constant 16 : i32
    %dma_wait3A_259 = arith.constant 0 : i32
    %dma_wait3A_260 = tpu.memref_slice %arg8[%dma_wait3A_257, %dma_wait3A_258, %dma_wait3A_259] : memref<2x32x32xf32, #tpu.memory_space<vmem>> -> memref<1x16x32xf32, #tpu.memory_space<vmem>>
    %dma_wait3A_261 = tpu.memref_squeeze %dma_wait3A_260 : memref<1x16x32xf32, #tpu.memory_space<vmem>> -> memref<16x32xf32, #tpu.memory_space<vmem>>
    %dma_wait3A_262 = arith.constant 16 : i32
    %dma_wait3A_263 = arith.constant 0 : i32
    %dma_wait3A_264 = tpu.memref_slice %arg4[%add3A_158, %dma_wait3A_262, %dma_wait3A_263] : memref<32x32x32xf32, #tpu.memory_space<hbm>> -> memref<1x16x32xf32, #tpu.memory_space<hbm>>
    %dma_wait3A_265 = tpu.memref_squeeze %dma_wait3A_264 : memref<1x16x32xf32, #tpu.memory_space<hbm>> -> memref<16x32xf32, #tpu.memory_space<hbm>>
    %dma_wait3A_266 = arith.constant 16 : i32
    %dma_wait3A_267 = arith.constant 0 : i32
    %dma_wait3A_268 = tpu.memref_slice %arg4[%add3A_158, %dma_wait3A_266, %dma_wait3A_267] : memref<32x32x32xf32, #tpu.memory_space<hbm>> -> memref<1x16x32xf32, #tpu.memory_space<hbm>>
    %dma_wait3A_269 = tpu.memref_squeeze %dma_wait3A_268 : memref<1x16x32xf32, #tpu.memory_space<hbm>> -> memref<16x32xf32, #tpu.memory_space<hbm>>
    %dma_wait3A_270 = arith.constant 16 : i32
    %dma_wait3A_271 = arith.constant 0 : i32
    %dma_wait3A_272 = tpu.memref_slice %arg8[%dma_wait3A_257, %dma_wait3A_270, %dma_wait3A_271] : memref<2x32x32xf32, #tpu.memory_space<vmem>> -> memref<1x16x32xf32, #tpu.memory_space<vmem>>
    %dma_wait3A_273 = tpu.memref_squeeze %dma_wait3A_272 : memref<1x16x32xf32, #tpu.memory_space<vmem>> -> memref<16x32xf32, #tpu.memory_space<vmem>>
    tpu.wait_dma2 semaphore(%arg10 : memref<!tpu.dma_semaphore, #tpu.memory_space<semaphore_mem>>) src(%dma_wait3A_273 : memref<16x32xf32, #tpu.memory_space<vmem>>) dst(%dma_wait3A_269 : memref<16x32xf32, #tpu.memory_space<hbm>>)
    return
  }
}

</mosaic_0001>

<sc_bundles>
// kernel: kernel.3.cloned.1.call-start
scs
__scs_entry_jumppad:
0x0: {  	(pc) =	sbr.rel $0x88, $3  }
0x1: {  	(tag) =	ssettag $0x0;
	lr =	simm.s32 $0x1  }
0x2: {  	[smem:$0x3F9F] =	sst lr;
	_ =	strace $0xD0000000  }
0x3: {  	_ = 	snop  }
0x4: {  	_ = 	snop  }
0x5: {  	_ = 	snop  }
0x6: {  	_ = 	snop  }
0x7: {  	_ = 	snop  }
__scs_overlays_trampoline_lowered:
0x8: {  	[smem:$0x3FAE] =	sst s0  }
0x9: {  	[smem:$0x3FAF] =	sst s1  }
0xa: {  	[smem:$0x3FB0] =	sst s2  }
0xb: {  	[smem:$0x3FB1] =	sst s3  }
0xc: {  	[smem:$0x3FB2] =	sst s4  }
0xd: {  	[smem:$0x3FB3] =	sst s5  }
0xe: {  	[smem:$0x3FB4] =	sst s6  }
0xf: {  	[smem:$0x3FB5] =	sst s7  }
0x10: {  	[smem:$0x3FB6] =	sst s8  }
0x11: {  	[smem:$0x3FB7] =	sst s9;
	s0 =	simm.s32 @!p0 $0x0  }
0x12: {  	s1 =	sld [smem:$0x3F9D];
	s0 =	simm.s32 @p0 $0x1  }
0x13: {  	[smem:$0x3FB8] =	sst s0;
	s0 =	simm.s32 @!p1 $0x0  }
0x14: {  	s2 =	sld [smem:$0x3F9C];
	s0 =	simm.s32 @p1 $0x1  }
0x15: {  	[smem:$0x3FB9] =	sst s0;
	s0 =	simm.s32 @!p2 $0x0  }
0x16: {  	s3 =	sld [smem:$0x3FDB];
	s0 =	simm.s32 @p2 $0x1  }
0x17: {  	s4 =	simm.s32 $0x1BF5;
	[smem:$0x3FBB] =	sst s0  }
0x18: {  	s0 =	sld [smem:$0x3F9E];
	_ =	swait.ge [sflag:s4], $0x0  }
0x19: {  	s7 =	sld [smem:$0x3F9F]  }
0x1a: {  	s8 =	sadd.s32 $0xFFFFE003, lr  }
0x1b: {  	s9 =	sadd.s32 $0xFFFFFEF7, lr;
	s5 =	simm.s32 $0xFFFFFFFF;
	p2 =	slt.u32 s8, $0xFFFFF086  }
0x1c: {  	p1 =	slt.u32 s9, $0xF7A;
	s5 =	simm.s32 @!p2 $0x0  }
0x1d: {  	s5 =	simm.s32 @p1 $0x1;
	p0 =	seq.s32 s7, s2  }
0x1e: {  	s7 =	smul.u32 @!p0 $0xF7A, s2;
	p2 =	seq.s32 @!p0 s5, $0x0  }
0x1f: {  	s9 =	smul.u32 $0xF7A, s1;
	s8 =	simm.s32 @!p0 $0x1BF5;
	p2 =	por !p2, p0  }
0x20: {  	[sflag:s8] =	ssyncset.s32 @!p0 $0xFFFFF086;
	s6 =	sadd.s32 @!p0 s3, s7;
	s7 =	simm.s32 @!p0 $0x108  }
0x21: {  	s3 =	sadd.s32 s3, s9;
	s6 =	sadd.s32 @!p0 $0x88, s6;
	s7 =	simm.s32 @p2 $0x1082  }
0x22: {  	[simem:s7], [sflag:s8] =	dma.local @!p0 [hbm:s6], $0xF7A  }
0x23: {  	s9 =	sor.u32 $0xD0000000, s2;
	s6 =	simm.s32 $0x108;
	_ =	swait.ge @!p0 [sflag:s8], $0x0  }
0x24: {  	s3 =	sadd.s32 $0x88, s3;
	s6 =	simm.s32 @!p1 $0x1082;
	[sflag:s4] =	ssyncset.s32 $0xFFFFF086  }
0x25: {  	[simem:s6], [sflag:s4] =	dma.local [hbm:s3], $0xF7A  }
0x26: {  	[smem:$0x3F9F] =	sst s1;
	(tag) =	ssettag s2;
	_ =	strace s9  }
0x27: {  	s1 =	sld [smem:$0x3FAF]  }
0x28: {  	s2 =	sld [smem:$0x3FB0]  }
0x29: {  	s4 =	sld [smem:$0x3FB2]  }
0x2a: {  	p0 =	seq.s32 s5, $0x0;
	s5 =	sld [smem:$0x3FB3]  }
0x2b: {  	s6 =	sld [smem:$0x3FB4]  }
0x2c: {  	s7 =	sld [smem:$0x3FB5]  }
0x2d: {  	s3 =	simm.s32 $0x108;
	s8 =	sld [smem:$0x3FB6]  }
0x2e: {  	s3 =	simm.s32 @!p0 $0x1082;
	s9 =	sld [smem:$0x3FB7]  }
0x2f: {  	lr =	sadd.s32 s0, s3;
	s0 =	sld [smem:$0x3FAE]  }
0x30: {  	s3 =	sld [smem:$0x3FB1]  }
0x31: {  	[smem:$0x3FBA] =	sst s10  }
0x32: {  	s10 =	sld [smem:$0x3FB8];
	_ =	sdelay $0x3  }
0x33: {  	p0 =	seq.s32 s10, $0x1;
	s10 =	sld [smem:$0x3FBA];
	_ =	sdelay $0x3  }
0x34: {  	[smem:$0x3FBA] =	sst s10  }
0x35: {  	s10 =	sld [smem:$0x3FB9];
	_ =	sdelay $0x3  }
0x36: {  	p1 =	seq.s32 s10, $0x1;
	s10 =	sld [smem:$0x3FBA];
	_ =	sdelay $0x3  }
0x37: {  	[smem:$0x3FBA] =	sst s10  }
0x38: {  	s10 =	sld [smem:$0x3FBB]  }
0x39: {  	_ = 	snop;
	(pc) =	sbr.ind lr, $3  }
0x3a: {  	_ = 	snop  }
0x3b: {  	_ = 	snop  }
0x3c: {  	p2 =	seq.s32 s10, $0x1;
	s10 =	sld [smem:$0x3FBA]  }
0x3d: {  	_ =	shalt  }
0x3e: {  	_ =	shalt  }
0x3f: {  	_ =	shalt  }
0x40: {  	_ =	shalt  }
0x41: {  	_ =	shalt  }
0x42: {  	_ =	shalt  }
0x43: {  	_ =	shalt  }
0x44: {  	_ =	shalt  }
0x45: {  	_ =	shalt  }
0x46: {  	_ =	shalt  }
0x47: {  	_ =	shalt  }
0x48: {  	_ =	shalt  }
0x49: {  	_ =	shalt  }
0x4a: {  	_ =	shalt  }
0x4b: {  	_ =	shalt  }
0x4c: {  	_ =	shalt  }
0x4d: {  	_ =	shalt  }
0x4e: {  	_ =	shalt  }
0x4f: {  	_ =	shalt  }
0x50: {  	_ =	shalt  }
0x51: {  	_ =	shalt  }
0x52: {  	_ =	shalt  }
0x53: {  	_ =	shalt  }
0x54: {  	_ =	shalt  }
0x55: {  	_ =	shalt  }
0x56: {  	_ =	shalt  }
0x57: {  	_ =	shalt  }
0x58: {  	_ =	shalt  }
0x59: {  	_ =	shalt  }
0x5a: {  	_ =	shalt  }
0x5b: {  	_ =	shalt  }
0x5c: {  	_ =	shalt  }
0x5d: {  	_ =	shalt  }
0x5e: {  	_ =	shalt  }
0x5f: {  	_ =	shalt  }
0x60: {  	_ =	shalt  }
0x61: {  	_ =	shalt  }
0x62: {  	_ =	shalt  }
0x63: {  	_ =	shalt  }
0x64: {  	_ =	shalt  }
0x65: {  	_ =	shalt  }
0x66: {  	_ =	shalt  }
0x67: {  	_ =	shalt  }
0x68: {  	_ =	shalt  }
0x69: {  	_ =	shalt  }
0x6a: {  	_ =	shalt  }
0x6b: {  	_ =	shalt  }
0x6c: {  	_ =	shalt  }
0x6d: {  	_ =	shalt  }
0x6e: {  	_ =	shalt  }
0x6f: {  	_ =	shalt  }
0x70: {  	_ =	shalt  }
0x71: {  	_ =	shalt  }
0x72: {  	_ =	shalt  }
0x73: {  	_ =	shalt  }
0x74: {  	_ =	shalt  }
0x75: {  	_ =	shalt  }
0x76: {  	_ =	shalt  }
0x77: {  	_ =	shalt  }
0x78: {  	_ =	shalt  }
0x79: {  	_ =	shalt  }
0x7a: {  	_ =	shalt  }
0x7b: {  	_ =	shalt  }
0x7c: {  	_ =	shalt  }
0x7d: {  	_ =	shalt  }
0x7e: {  	_ =	shalt  }
0x7f: {  	_ =	shalt  }
0x80: {  	_ =	shalt  }
0x81: {  	_ =	shalt  }
0x82: {  	_ =	shalt  }
0x83: {  	_ =	shalt  }
0x84: {  	_ =	shalt  }
0x85: {  	_ =	shalt  }
0x86: {  	_ =	shalt  }
0x87: {  	_ =	shalt  }
.Lfunc_end0:
.L_simem_size_0:
called_computation_lowered:
.L_overlay_start_0:
0x88: {  	s0 =	sld [smem:$0x3FD9]  }
0x89: {  	s1 =	sld [smem:$0x3FFE];
	_ =	sdelay $0x3  }
0x8a: {  	s0 =	sadd.s32 s1, s0  }
0x8b: {  	[smem:$0x3FC6] =	sst s0  }
0x8c: {  	_ = 	snop  }
0x8d: {  	s0 =	sld [smem:$0x3FC9]  }
0x8e: {  	s17 =	sld [smem:$0x3FC8]  }
0x8f: {  	s2 =	sld [smem:$0x3FD0];
	(tm) =	ssettm $0x1  }
0x90: {  	s3 =	sld [smem:$0x3FFB];
	_ =	sdelay $0x3  }
0x91: {  	_ =	strace s3  }
0x92: {  	s3 =	sld [smem:$0x3FFC];
	_ =	sdelay $0x3  }
0x93: {  	_ =	strace s3  }
0x94: {  	s3 =	sld [smem:$0x3FFD];
	_ =	sdelay $0x3  }
0x95: {  	_ =	strace s3  }
0x96: {  	_ =	strace $0x8FFFFFFF  }
0x97: {  	s18 =	sld [smem:$0x3FDB];
	_ =	sdelay $0x1  }
0x98: {  	s4 =	simm.s32 $_scs_section_size  }
0x99: {  	s5 =	simm.s32 $_size__tile_overlayer_lowered;
	s6 =	simm.s32 $_tile_overlayer_lowered  }
0x9a: {  	s21 =	simm.s32 $0x1BFF;
	s20 =	sshll.u32 s6, $0x1;
	s3 =	sadd.s32 s4, s18  }
0x9b: {  	s7 =	simm.s32 $0x0;
	s19 =	sshll.u32 s5, $0x1;
	s5 =	sadd.s32 s20, s3  }
0x9c: {  	[timem:s7], [sflag:s21] =	dma.local [hbm:s5], s19  }
0x9d: {  	_ =	swait.ge [sflag:s21], s19  }
0x9e: {  	s4 =	ssub.s32 $0x0, s19;
	[sflag:s21] =	ssyncset.done $0x0  }
0x9f: {  	[sflag:s21] =	ssyncadd.s32 s4;
	_ =	sdelay $0x1  }
0xa0: {  	s22 =	simm.s32 $0x1B8B  }
0xa1: {  	_ =	swait.ge [sflag:s22], $0x1  }
0xa2: {  	[sflag:s22] =	ssyncset.done $0x0  }
0xa3: {  	s23 =	simm.s32 $0x1B8E;
	[sflag:s22] =	ssyncadd.s32 $0xFFFFFFFF  }
0xa4: {  	s24 =	simm.s32 $execute0_lowered;
	[smem:$0x3FD2] =	sst s23  }
0xa5: {  	s4 =	sshll.u32 s24, $0x1;
	_ =	strace $0x80000046;
	[dreg:$0x1] =	wrdreg $0xFFFFFFFF  }
0xa6: {  	s25 =	simm.s32 $_size_execute0_lowered;
	s3 =	sadd.s32 s3, s4;
	[dreg:$0x0] =	wrdreg $0x0  }
0xa7: {  	s4 =	sshll.u32 s25, $0x1;
	[dreg:$0x2] =	wrdreg s3  }
0xa8: {  	[dreg:$0x3] =	wrdreg s4  }
0xa9: {  	[dreg:$0x4] =	wrdreg $0xC0  }
0xaa: {  	_ =	task [dreg:s7], $0x5FFFF  }
0xab: {  	[dreg:$0x1] =	wrdreg $0xFFFFFFFF  }
0xac: {  	[dreg:$0x0] =	wrdreg $0x60  }
0xad: {  	[dreg:$0x2] =	wrdreg s0  }
0xae: {  	[dreg:$0x3] =	wrdreg s17  }
0xaf: {  	[dreg:$0x4] =	wrdreg s2  }
0xb0: {  	[dreg:$0x5] =	wrdreg $0x9  }
0xb1: {  	_ =	task.clear_ibuf [dreg:s7], $0x6FFFF;
	_ =	strace $0x90000046  }
0xb2: {  	s26 =	simm.s32 $0x9;
	_ =	strace $0x80000048  }
0xb3: {  	_ =	swait.ge [sflag:s26], $0x1  }
0xb4: {  	[sflag:s26] =	ssyncadd.s32 $0xFFFFFFFF  }
0xb5: {  	_ =	strace $0x90000048  }
0xb6: {  	_ =	sfence  }
0xb7: {  	s28 =	sld [smem:$0x0];
	_ =	sdelay $0x1  }
0xb8: {  	s29 =	srdreg.scid  }
0xb9: {  	s30 =	sshll.u32 s29, $0xD;
	s31 =	sshrl.u32 s29, $0x2  }
0xba: {  	s1 =	sand.u32 $0x1, s29;
	s2 =	sand.u32 $0x4000, s30;
	s0 =	sadd.s32 s31, s28  }
0xbb: {  	s1 =	sor.u32 s2, s1;
	s0 =	sshll.u32 s0, $0x11  }
0xbc: {  	s0 =	sor.u32 s0, s1  }
0xbd: {  	s0 =	sadd.s32 $0x8F2B, s0  }
0xbe: {  	[sflag:s0] =	ssyncadd.remote.s32 $0x1  }
0xbf: {  	_ =	sfence.sel $0xFFFF  }
0xc0: {  	[dreg:$0x0] =	wrdreg $0xFFFFFFFF;
	(pc) =	sbr.abs _section_cstart, $3  }
0xc1: {  	[dreg:$0x1] =	wrdreg $0xFFFFFFFF  }
0xc2: {  	_ =	task.clear_ibuf [dreg:s7], $0x2FFFF;
	_ =	strace $0x9FFFFFFF  }
0xc3: {  	(tm) =	ssettm $0x7FFFFFFF  }
tec
execute0_lowered:
.L_overlay_start_1:
0x0: {  	(tag) =	ssettag $0x1  }
0x1: {  	s1 =	rddreg [dreg:$0x0]  }
0x2: {  	s4 =	rddreg [dreg:$0x1]  }
0x3: {  	s2 =	rddreg [dreg:$0x2]  }
0x4: {  	s0 =	rddreg [dreg:$0x3];
	s3 =	simm.s32 $0x0  }
0x5: {  	s29 =	simm.s32 $0x11;
	[smem:$0x7FF] =	sst s3  }
0x6: {  	s30 =	simm.s32 $0x1D;
	_ =	strace $0x80000047;
	[dreg:$0x4] =	wrdreg s29  }
0x7: {  	s28 =	simm.s32 $0x80;
	s31 =	simm.s32 $0x10;
	[dreg:$0x5] =	wrdreg s30  }
0x8: {  	[tilespmem:s3], [sflag:$0x1] =	stream.linear.gather [hbm4b:s1+s3], $0x80, $0x38;
	[tilespmem:$0x2180] =	vst v63  }
0x9: {  	v3 =	vlaneseq.u32;
	s5 =	simm.s32 $0x18;
	[dreg:$0x6] =	wrdreg s31;
	s1 =	stileid.u32  }
0xa: {  	v0 =	vadd.s32 $0x1022172D, v3;
	[tilespmem:s28], [sflag:$0x1] =	stream.linear.gather [hbm4b:s4+s3], $0x80, $0x38;
	[tilespmem:$0x2180] =	vst v63  }
0xb: {  	p1 =	por $0x1, $0x1;
	v1 =	vadd.s32 $0x1022173D, v3;
	v2 =	vadd.s32 $0xADD083F4, v3;
	v3 =	vadd.s32 $0xADD08404, v3;
	[dreg:$0x7] =	wrdreg s5;
	s4 =	sshll.u32 s1, $0x5  }
.LBB2_1:
0xc: {  	s5 =	sshll.u32 s3, $0x9  }
0xd: {  	s6 =	simm.s32 $0x0;
	s5 =	sor.u32 s4, s5  }
0xe: {  	v8 =	vimm.s32 $0x6D3E048F;
	v9 =	vimm.s32 $0x3D7B32D;
	s6 =	sand.u32 $0x1, s6;
	v4 =	vadd.s32 s5, v0  }
0xf: {  	s8 =	rddreg [dreg:$0x4];
	v5 =	vadd.s32 s5, v1;
	v6 =	vadd.s32 s5, v2;
	p0 =	seq.s32 s6, $0x1;
	v7 =	vor.u32 s5, v3  }
0x10: {  	s8 =	simm.s32 @!p0 $0xD;
	v10 =	vadd.s32 v8, v5;
	v11 =	vadd.s32 v9, v6;
	v8 =	vadd.s32 v8, v4  }
0x11: {  	s29 =	ssub.s32 $0x20, s8;
	v12 =	vshll.u32 v5, s8;
	v13 =	vshll.u32 v6, s8;
	v14 =	vshll.u32 v4, s8  }
0x12: {  	v47 =	vshll.u32 v7, s8;
	v5 =	vshrl.u32 v5, s29;
	v6 =	vshrl.u32 v6, s29  }
0x13: {  	s7 =	rddreg [dreg:$0x5];
	v15 =	vshrl.u32 v7, s29;
	v4 =	vshrl.u32 v4, s29;
	v7 =	vadd.s32 v9, v7  }
0x14: {  	s7 =	simm.s32 @!p0 $0xF;
	v6 =	vor.u32 v6, v13;
	v4 =	vor.u32 v14, v4;
	v5 =	vor.u32 v12, v5  }
0x15: {  	s12 =	ssub.s32 $0x20, s7;
	v13 =	vor.u32 v15, v47;
	v6 =	vxor.u32 v11, v6;
	v9 =	vxor.u32 v8, v4  }
0x16: {  	v5 =	vxor.u32 v10, v5;
	v4 =	vshrl.u32 v6, s12;
	v48 =	vshrl.u32 v9, s12  }
0x17: {  	v49 =	vshll.u32 v6, s7;
	v6 =	vadd.s32 v11, v6;
	v11 =	vshrl.u32 v5, s12  }
0x18: {  	v50 =	vshll.u32 v5, s7;
	v5 =	vadd.s32 v10, v5;
	v10 =	vxor.u32 v7, v13  }
0x19: {  	s11 =	simm.s32 $0x2;
	s8 =	rddreg [dreg:$0x6];
	v58 =	vshll.u32 v9, s7;
	v8 =	vadd.s32 v8, v9;
	v4 =	vor.u32 v4, v49  }
0x1a: {  	s30 =	sand.u32 $0xFF, s11;
	s8 =	simm.s32 @!p0 $0x1A;
	v11 =	vor.u32 v11, v50;
	v16 =	vshll.u32 v10, s7;
	v17 =	vshrl.u32 v10, s12  }
0x1b: {  	s9 =	simm.s32 $0x1;
	s5 =	smul.u32 $0xAB, s30;
	s10 =	ssub.s32 $0x20, s8;
	v7 =	vadd.s32 v7, v10;
	v9 =	vor.u32 v48, v58;
	v4 =	vxor.u32 v6, v4  }
0x1c: {  	p2 =	por $0x1, $0x1;
	s13 =	simm.s32 $0xFFFFFFFE;
	s6 =	rddreg [dreg:$0x7];
	v11 =	vxor.u32 v5, v11;
	v51 =	vshll.u32 v4, s8;
	v52 =	vshrl.u32 v4, s10  }
0x1d: {  	s13 =	smov.u32 @p2 s9;
	s6 =	simm.s32 @!p0 $0x6;
	s5 =	sshrl.u32 s5, $0x9;
	v12 =	vxor.u32 v8, v9;
	v4 =	vadd.s32 v6, v4;
	v6 =	vor.u32 v52, v51  }
0x1e: {  	s14 =	smul.u32 $0x3, s5;
	p0 =	seq.s32 s13, $0x1;
	s5 =	simm.s32 $0xADD083F4;
	v53 =	vshrl.u32 v11, s10;
	v5 =	vadd.s32 v5, v11;
	v6 =	vxor.u32 v4, v6  }
0x1f: {  	p2 =	seq.s32 s13, $0x0;
	s9 =	ssub.s32 $0x20, s6;
	s5 =	simm.s32 @!p0 $0xB5D62B03;
	v11 =	vshll.u32 v11, s8;
	v63 =	vshrl.u32 v12, s10;
	v54 =	vshll.u32 v6, s6  }
0x20: {  	s14 =	ssub.s32 $0x2, s14;
	s5 =	simm.s32 @p2 $0x3D7B32D;
	v55 =	vshrl.u32 v6, s9;
	v6 =	vadd.s32 v4, v6;
	v4 =	vor.u32 v53, v11  }
0x21: {  	s31 =	sand.u32 $0xFF, s14;
	v11 =	vor.u32 v17, v16;
	v10 =	vxor.u32 v5, v4;
	v4 =	vadd.s32 s5, v6  }
0x22: {  	s13 =	simm.s32 $0xADD083F4;
	p3 =	seq.s32 s31, $0x1;
	v11 =	vxor.u32 v7, v11;
	v60 =	vor.u32 v55, v54;
	v56 =	vshll.u32 v10, s6  }
0x23: {  	p4 =	seq.s32 s31, $0x0;
	s13 =	simm.s32 @!p3 $0xB5D62B03;
	v57 =	vshrl.u32 v10, s9;
	v10 =	vadd.s32 v5, v10;
	v59 =	vshll.u32 v11, s8  }
0x24: {  	s7 =	simm.s32 $0x1022172D;
	s13 =	simm.s32 @p4 $0x3D7B32D;
	v9 =	vadd.s32 v7, v11;
	v7 =	vshrl.u32 v11, s10;
	v11 =	vshll.u32 v12, s8  }
0x25: {  	s12 =	simm.s32 $0x1022172D;
	s7 =	simm.s32 @!p0 $0x66CD0878;
	s14 =	sadd.s32 $0x1, s13;
	v6 =	vxor.u32 v6, v60;
	v5 =	vor.u32 v57, v56;
	v7 =	vor.u32 v7, v59  }
0x26: {  	s12 =	simm.s32 @!p3 $0x66CD0878;
	s7 =	simm.s32 @p2 $0x6D3E048F;
	v6 =	vadd.s32 s14, v6;
	v5 =	vxor.u32 v10, v5;
	v61 =	vxor.u32 v9, v7  }
0x27: {  	s12 =	simm.s32 @p4 $0x6D3E048F;
	v7 =	vadd.s32 s7, v10;
	v10 =	vshll.u32 v61, s6;
	v62 =	vshrl.u32 v61, s9  }
0x28: {  	s12 =	sadd.s32 $0x1, s12;
	v11 =	vor.u32 v63, v11;
	v9 =	vadd.s32 v9, v61;
	v13 =	vor.u32 v62, v10  }
0x29: {  	p0 =	por p1, p1;
	v5 =	vadd.s32 s12, v5;
	v10 =	vadd.s32 v8, v12;
	v8 =	vxor.u32 v9, v13  }
.LBB2_2:
0x2a: {  	s13 =	sadd.s32 $0xFFFFFFFF, s11;
	v11 =	vxor.u32 v10, v11  }
0x2b: {  	v9 =	vadd.s32 s5, v9;
	v8 =	vadd.s32 s14, v8;
	v7 =	vadd.s32 v7, v5;
	s24 =	sand.u32 $0x1, s13  }
0x2c: {  	s15 =	rddreg [dreg:$0x4];
	v12 =	vshll.u32 v11, s6;
	v13 =	vshrl.u32 v11, s9;
	v10 =	vadd.s32 v10, v11;
	p2 =	seq.s32 s24, $0x1  }
0x2d: {  	v4 =	vadd.s32 v4, v6;
	v11 =	vor.u32 v13, v12;
	v44 =	vadd.s32 s7, v10;
	s15 =	simm.s32 @!p2 $0xD  }
0x2e: {  	v10 =	vxor.u32 v10, v11;
	s26 =	ssub.s32 $0x20, s15;
	v45 =	vshll.u32 v5, s15;
	v14 =	vshll.u32 v6, s15  }
0x2f: {  	s10 =	smov.u32 s11;
	v10 =	vadd.s32 s12, v10;
	v47 =	vshll.u32 v8, s15;
	v5 =	vshrl.u32 v5, s26  }
0x30: {  	s8 =	sadd.s32 $0x1, s11;
	p1 =	slt.u32 s13, $0x2;
	s13 =	sadd.s32 $0xFFFFFFFD, s10;
	v6 =	vshrl.u32 v6, s26;
	v11 =	vadd.s32 v44, v10;
	v46 =	vshll.u32 v10, s15  }
0x31: {  	s13 =	smov.u32 @p1 s10;
	p1 =	sne.s32 s11, $0x5;
	s11 =	rddreg [dreg:$0x5];
	v15 =	vshrl.u32 v8, s26;
	v10 =	vshrl.u32 v10, s26;
	v8 =	vadd.s32 v9, v8  }
0x32: {  	s11 =	simm.s32 @!p2 $0xF;
	v6 =	vor.u32 v6, v14;
	v10 =	vor.u32 v46, v10;
	v5 =	vor.u32 v45, v5  }
0x33: {  	s30 =	ssub.s32 $0x20, s11;
	v50 =	vor.u32 v15, v47;
	v6 =	vxor.u32 v4, v6;
	v9 =	vxor.u32 v11, v10  }
0x34: {  	v5 =	vxor.u32 v7, v5;
	v10 =	vshrl.u32 v6, s30;
	v48 =	vshrl.u32 v9, s30  }
0x35: {  	s16 =	sand.u32 $0xFF, s8;
	v49 =	vshll.u32 v6, s11;
	v4 =	vadd.s32 v4, v6;
	v6 =	vshrl.u32 v5, s30  }
0x36: {  	s14 =	rddreg [dreg:$0x6];
	s25 =	smul.u32 $0xAB, s16;
	v51 =	vshll.u32 v5, s11;
	v5 =	vadd.s32 v7, v5;
	v59 =	vshll.u32 v9, s11  }
0x37: {  	s14 =	simm.s32 @!p2 $0x1A;
	v11 =	vadd.s32 v11, v9;
	v10 =	vor.u32 v10, v49;
	v6 =	vor.u32 v6, v51  }
0x38: {  	s5 =	sshrl.u32 s25, $0x9;
	s31 =	ssub.s32 $0x20, s14;
	v9 =	vor.u32 v48, v59;
	v10 =	vxor.u32 v4, v10;
	v6 =	vxor.u32 v5, v6  }
0x39: {  	s28 =	smul.u32 $0x3, s5;
	v12 =	vxor.u32 v11, v9;
	v52 =	vshll.u32 v10, s14;
	v53 =	vshrl.u32 v10, s31  }
0x3a: {  	s6 =	rddreg [dreg:$0x7];
	s7 =	simm.s32 $0x1022172D;
	p3 =	seq.s32 s13, $0x1;
	v4 =	vadd.s32 v4, v10;
	v10 =	vxor.u32 v8, v50;
	v54 =	vshrl.u32 v6, s31  }
0x3b: {  	s7 =	simm.s32 @!p3 $0x66CD0878;
	s5 =	simm.s32 $0xADD083F4;
	s29 =	ssub.s32 s8, s28;
	v5 =	vadd.s32 v5, v6;
	v6 =	vshll.u32 v6, s14;
	v7 =	vor.u32 v53, v52  }
0x3c: {  	s6 =	simm.s32 @!p2 $0x6;
	s5 =	simm.s32 @!p3 $0xB5D62B03;
	s9 =	sand.u32 $0xFF, s29;
	v61 =	vshll.u32 v12, s14;
	v63 =	vshrl.u32 v12, s31;
	v7 =	vxor.u32 v4, v7  }
0x3d: {  	p3 =	seq.s32 s9, $0x1;
	p4 =	seq.s32 s9, $0x0;
	s9 =	ssub.s32 $0x20, s6;
	v16 =	vshll.u32 v10, s11;
	v17 =	vshrl.u32 v10, s30;
	v55 =	vshll.u32 v7, s6  }
0x3e: {  	p2 =	seq.s32 s13, $0x0;
	v56 =	vshrl.u32 v7, s9;
	v7 =	vadd.s32 v4, v7;
	v4 =	vor.u32 v54, v6  }
0x3f: {  	s5 =	simm.s32 @p2 $0x3D7B32D;
	v6 =	vadd.s32 v8, v10;
	v10 =	vor.u32 v17, v16;
	v8 =	vxor.u32 v5, v4  }
0x40: {  	v4 =	vadd.s32 s5, v7;
	v10 =	vxor.u32 v6, v10;
	v57 =	vshll.u32 v8, s6  }
0x41: {  	s17 =	simm.s32 $0x1022172D;
	s16 =	simm.s32 $0xADD083F4;
	v58 =	vshrl.u32 v8, s9;
	v8 =	vadd.s32 v5, v8;
	v60 =	vshll.u32 v10, s14  }
0x42: {  	s17 =	simm.s32 @!p3 $0x66CD0878;
	s16 =	simm.s32 @!p3 $0xB5D62B03;
	v9 =	vadd.s32 v6, v10;
	v6 =	vshrl.u32 v10, s31;
	v5 =	vor.u32 v58, v57  }
.Ltmp0:
0x43: {  	s7 =	simm.s32 @p2 $0x6D3E048F;
	s17 =	simm.s32 @p4 $0x6D3E048F;
	v10 =	vor.u32 v56, v55;
	v6 =	vor.u32 v6, v60;
	v5 =	vxor.u32 v8, v5;
	(pc) =	sbr.rel @p1 .LBB2_2-.Ltmp0, $4  }
0x44: {  	s16 =	simm.s32 @p4 $0x3D7B32D;
	s12 =	sadd.s32 s10, s17;
	v62 =	vxor.u32 v9, v6;
	v6 =	vxor.u32 v7, v10;
	v7 =	vadd.s32 s7, v8  }
0x45: {  	s14 =	sadd.s32 s10, s16;
	v5 =	vadd.s32 s12, v5;
	v8 =	vshll.u32 v62, s6;
	v10 =	vshrl.u32 v62, s9  }
0x46: {  	v6 =	vadd.s32 s14, v6;
	v9 =	vadd.s32 v9, v62;
	v8 =	vor.u32 v10, v8  }
0x47: {  	s11 =	smov.u32 s8;
	v10 =	vadd.s32 v11, v12;
	v11 =	vor.u32 v63, v61;
	v8 =	vxor.u32 v9, v8  }
0x48: {  	v11 =	vxor.u32 v10, v11  }
0x49: {  	s3 =	sshll.u32 s3, $0x6;
	v5 =	vxor.u32 v7, v5;
	v12 =	vshll.u32 v11, s6;
	v13 =	vshrl.u32 v11, s9  }
.Ltmp1:
0x4a: {  	v63 =	vadd.s32 s5, v9;
	v10 =	vadd.s32 v10, v11;
	s3 =	sand.u32 $0x3FFFFFC0, s3;
	v62 =	vor.u32 v13, v12;
	(pc) =	sbr.rel @p0 .LBB2_1-.Ltmp1, $4  }
0x4b: {  	v8 =	vadd.s32 s14, v8;
	v4 =	vxor.u32 v4, v6;
	[tilespmem:s3+$0x110] =	vst v5;
	v11 =	vxor.u32 v10, v62  }
0x4c: {  	v5 =	vxor.u32 v63, v8;
	[tilespmem:s3+$0x120] =	vst v4;
	v10 =	vadd.s32 s7, v10;
	v11 =	vadd.s32 s12, v11  }
0x4d: {  	[tilespmem:s3+$0x130] =	vst v5;
	v10 =	vxor.u32 v10, v11  }
0x4e: {  	p1 =	por $0x0, $0x0;
	[tilespmem:s3+$0x100] =	vst v10;
	s3 =	simm.s32 $0x1  }
0x4f: {  	s3 =	simm.s32 $0x1  }
0x50: {  	_ =	swait.ge [sflag:s3], $0x80  }
0x51: {  	[sflag:s3] =	ssyncset.done $0x0  }
0x52: {  	[sflag:s3] =	ssyncadd.s32 $0xFFFFFF80  }
0x53: {  	_ =	swait.ge [sflag:s3], $0x80  }
0x54: {  	[sflag:s3] =	ssyncset.done $0x0  }
0x55: {  	[sflag:s3] =	ssyncadd.s32 $0xFFFFFF80  }
0x56: {  	v0 =	vld [tilespmem:$0x100]  }
0x57: {  	v1 =	vld [tilespmem:$0x130];
	_ =	sdelay $0x1  }
0x58: {  	v2 =	vlaneseq.u32  }
0x59: {  	v2 =	vmul.u32 $0x4, v2;
	v3 =	vld [tilespmem:$0x120]  }
0x5a: {  	v0 =	vshrl.u32 v0, $0x1E  }
0x5b: {  	v4 =	vor.u32 $0x40, v2;
	v1 =	vshrl.u32 v1, $0x1E;
	v0 =	vor.u32 v2, v0  }
0x5c: {  	v5 =	vld [tilespmem:$0x110];
	v1 =	vor.u32 v4, v1;
	_ =	sdelay $0x1  }
0x5d: {  	v3 =	vshrl.u32 v3, $0x1E  }
0x5e: {  	s31 =	simm.s32 $0x0;
	v2 =	vor.u32 v2, v3  }
0x5f: {  	s4 =	simm.s32 $0x80;
	v3 =	vld.idx.msk [tilespmem:v0+s31+$0x0], $0xffff  }
0x60: {  	v0 =	vld.idx.msk [tilespmem:v1+s4+$0x0], $0xffff;
	v1 =	vshrl.u32 v5, $0x1E  }
0x61: {  	v4 =	vor.u32 v4, v1;
	_ =	sdelay $0x1  }
0x62: {  	v1 =	vld.idx.msk [tilespmem:v2+s4+$0x0], $0xffff  }
0x63: {  	v2 =	vmov s31  }
0x64: {  	v5 =	vperm.xlane v3, v2  }
0x65: {  	v2 =	vld.idx.msk [tilespmem:v4+s31+$0x0], $0xffff  }
0x66: {  	v6 =	vadd.f32 v5, v0  }
0x67: {  	s4 =	simm.s32 $0x190;
	v4 =	vadd.f32 v5, v1  }
0x68: {  	s3 =	simm.s32 $0x1;
	[tilespmem:s4+$0x0] =	vst v6  }
.LBB2_5:
0x69: {  	v5 =	vmov s3;
	p0 =	sne.s32 s3, $0xF;
	s3 =	sadd.s32 $0x1, s3;
	[tilespmem:s4+$0xFFFFFFF0] =	vst v4  }
.Ltmp2:
0x6a: {  	v5 =	vperm.xlane v3, v5;
	(pc) =	sbr.rel @p0 .LBB2_5-.Ltmp2, $4  }
0x6b: {  	_ = 	snop  }
0x6c: {  	v4 =	vadd.f32 v5, v1;
	v5 =	vadd.f32 v5, v0  }
0x6d: {  	s4 =	sadd.s32 $0x80, s4  }
0x6e: {  	[tilespmem:s4+$0x0] =	vst v5  }
0x6f: {  	s5 =	simm.s32 $0x0  }
0x70: {  	v3 =	vmov s5  }
0x71: {  	v3 =	vperm.xlane v2, v3  }
0x72: {  	s3 =	sshll.u32 s1, $0x9  }
0x73: {  	[tilespmem:s4+$0xFFFFFFF0] =	vst v4;
	s6 =	simm.s32 $0x180;
	s4 =	simm.s32 $0x990;
	s31 =	sadd.s32 s2, s3;
	v4 =	vadd.f32 v3, v0  }
0x74: {  	[hbm4b:s31+s5] =	stream.linear.scatter [tilespmem:s6], [sflag:$0x2], $0x800, $0x38;
	v3 =	vadd.f32 v3, v1;
	[tilespmem:$0x2180] =	vst v63  }
0x75: {  	s5 =	simm.s32 $0x1;
	[tilespmem:s4+$0x0] =	vst v4  }
.LBB2_7:
0x76: {  	v4 =	vmov s5;
	p0 =	sne.s32 s5, $0xF;
	s5 =	sadd.s32 $0x1, s5;
	[tilespmem:s4+$0xFFFFFFF0] =	vst v3  }
.Ltmp3:
0x77: {  	v4 =	vperm.xlane v2, v4;
	(pc) =	sbr.rel @p0 .LBB2_7-.Ltmp3, $4  }
0x78: {  	_ = 	snop  }
0x79: {  	v3 =	vadd.f32 v4, v1;
	v4 =	vadd.f32 v4, v0  }
0x7a: {  	s4 =	sadd.s32 $0x80, s4  }
0x7b: {  	[tilespmem:s4+$0x0] =	vst v4  }
0x7c: {  	s2 =	sadd.s32 s3, s2  }
0x7d: {  	[tilespmem:s4+$0xFFFFFFF0] =	vst v3;
	s30 =	simm.s32 $0x0;
	s5 =	simm.s32 $0x980;
	s3 =	sadd.s32 $0x100, s2  }
0x7e: {  	[hbm4b:s3+s30] =	stream.linear.scatter [tilespmem:s5], [sflag:$0x2], $0x800, $0x38;
	[tilespmem:$0x2180] =	vst v63  }
0x7f: {  	v0 =	vld [tilespmem:$0x140]  }
0x80: {  	v1 =	vld [tilespmem:$0x170];
	_ =	sdelay $0x1  }
0x81: {  	v2 =	vlaneseq.u32  }
0x82: {  	v2 =	vmul.u32 $0x4, v2;
	v3 =	vld [tilespmem:$0x160]  }
0x83: {  	v0 =	vshrl.u32 v0, $0x1E  }
0x84: {  	v4 =	vor.u32 $0x40, v2;
	v1 =	vshrl.u32 v1, $0x1E;
	v0 =	vor.u32 v2, v0  }
0x85: {  	v5 =	vld [tilespmem:$0x150];
	v1 =	vor.u32 v4, v1;
	_ =	sdelay $0x1  }
0x86: {  	v3 =	vshrl.u32 v3, $0x1E  }
0x87: {  	v2 =	vor.u32 v2, v3  }
0x88: {  	s31 =	simm.s32 $0x80;
	v3 =	vld.idx.msk [tilespmem:v0+s30+$0x0], $0xffff  }
0x89: {  	v0 =	vld.idx.msk [tilespmem:v1+s31+$0x0], $0xffff;
	v1 =	vshrl.u32 v5, $0x1E  }
0x8a: {  	v4 =	vor.u32 v4, v1;
	_ =	sdelay $0x1  }
0x8b: {  	v1 =	vld.idx.msk [tilespmem:v2+s31+$0x0], $0xffff  }
0x8c: {  	v2 =	vmov s30  }
0x8d: {  	v5 =	vperm.xlane v3, v2  }
0x8e: {  	v2 =	vld.idx.msk [tilespmem:v4+s30+$0x0], $0xffff  }
0x8f: {  	v6 =	vadd.f32 v5, v0  }
0x90: {  	s3 =	simm.s32 $0x1190;
	v4 =	vadd.f32 v5, v1  }
0x91: {  	s4 =	simm.s32 $0x1;
	[tilespmem:s3+$0x0] =	vst v6  }
.LBB2_9:
0x92: {  	v5 =	vmov s4;
	p0 =	sne.s32 s4, $0xF;
	s4 =	sadd.s32 $0x1, s4;
	[tilespmem:s3+$0xFFFFFFF0] =	vst v4  }
.Ltmp4:
0x93: {  	v5 =	vperm.xlane v3, v5;
	(pc) =	sbr.rel @p0 .LBB2_9-.Ltmp4, $4  }
0x94: {  	_ = 	snop  }
0x95: {  	v4 =	vadd.f32 v5, v1;
	v5 =	vadd.f32 v5, v0  }
0x96: {  	s3 =	sadd.s32 $0x80, s3  }
0x97: {  	[tilespmem:s3+$0x0] =	vst v5  }
0x98: {  	s4 =	simm.s32 $0x0  }
0x99: {  	v3 =	vmov s4  }
0x9a: {  	v3 =	vperm.xlane v2, v3;
	_ =	sdelay $0x1  }
0x9b: {  	[tilespmem:s3+$0xFFFFFFF0] =	vst v4;
	s31 =	sadd.s32 $0x2000, s2;
	s5 =	simm.s32 $0x1180;
	s3 =	simm.s32 $0x1990;
	v4 =	vadd.f32 v3, v0  }
0x9c: {  	[hbm4b:s31+s4] =	stream.linear.scatter [tilespmem:s5], [sflag:$0x2], $0x800, $0x38;
	v3 =	vadd.f32 v3, v1;
	[tilespmem:$0x2180] =	vst v63  }
0x9d: {  	s4 =	simm.s32 $0x1;
	[tilespmem:s3+$0x0] =	vst v4  }
.LBB2_11:
0x9e: {  	v4 =	vmov s4;
	p0 =	sne.s32 s4, $0xF;
	s4 =	sadd.s32 $0x1, s4;
	[tilespmem:s3+$0xFFFFFFF0] =	vst v3  }
.Ltmp5:
0x9f: {  	v4 =	vperm.xlane v2, v4;
	(pc) =	sbr.rel @p0 .LBB2_11-.Ltmp5, $4  }
0xa0: {  	_ = 	snop  }
0xa1: {  	v3 =	vadd.f32 v4, v1;
	v4 =	vadd.f32 v4, v0  }
0xa2: {  	s3 =	sadd.s32 $0x80, s3  }
0xa3: {  	[tilespmem:s3+$0x0] =	vst v4  }
0xa4: {  	s2 =	sadd.s32 $0x2100, s2  }
0xa5: {  	[tilespmem:s3+$0xFFFFFFF0] =	vst v3;
	s30 =	simm.s32 $0x0;
	s4 =	simm.s32 $0x1980;
	s31 =	simm.s32 $0x2  }
0xa6: {  	[hbm4b:s2+s30] =	stream.linear.scatter [tilespmem:s4], [sflag:$0x2], $0x800, $0x38;
	[tilespmem:$0x2180] =	vst v63  }
0xa7: {  	_ =	swait.ge [sflag:s31], $0x800  }
0xa8: {  	[sflag:s31] =	ssyncset.done $0x0  }
0xa9: {  	[sflag:s31] =	ssyncadd.s32 $0xFFFFF800  }
0xaa: {  	_ =	swait.ge [sflag:s31], $0x800  }
0xab: {  	[sflag:s31] =	ssyncset.done $0x0  }
0xac: {  	[sflag:s31] =	ssyncadd.s32 $0xFFFFF800  }
0xad: {  	_ =	swait.ge [sflag:s31], $0x800  }
0xae: {  	[sflag:s31] =	ssyncset.done $0x0  }
0xaf: {  	[sflag:s31] =	ssyncadd.s32 $0xFFFFF800  }
0xb0: {  	_ =	swait.ge [sflag:s31], $0x800  }
0xb1: {  	[sflag:s31] =	ssyncset.done $0x0  }
0xb2: {  	[sflag:s31] =	ssyncadd.s32 $0xFFFFF800  }
0xb3: {  	_ =	sfence.sel $0x180000  }
0xb4: {  	[bflag:$0x0] =	sbarrier.arrive $0xFFFF  }
0xb5: {  	p0 =	sne.s32 s1, $0x0;
	_ =	strace $0x90000047  }
0xb6: {  	s0 =	sadd.s32 @!p0 $0x100000, s0;
	[bflag:$0x2] =	sbarrier.arrive $0xFFFF  }
0xb7: {  	[sflag:s0] =	ssyncadd.tile.s32 @!p0 $0x1;
	_ =	shalt  }
.Lfunc_end2:
_tile_overlayer_lowered:
.L_overlay_start_2:
0xb8: {  	(tag) =	ssettag $0x2  }
0xb9: {  	s0 =	rddreg [dreg:$0x0];
	s2 =	stileid.u32  }
0xba: {  	s1 =	rddreg [dreg:$0x1];
	p0 =	sne.s32 s2, $0x0  }
0xbb: {  	s3 =	rddreg [dreg:$0x2];
	[bflag:$0x3] =	sbarrier.arrive $0xFFFF;
	s2 =	simm.s32 @!p0 $0x1C03  }
0xbc: {  	[timem:s3], [sflag:s2] =	dma.local @!p0 [hbm:s0], s1  }
0xbd: {  	s0 =	simm.s32 @!p0 $0x3  }
0xbe: {  	_ =	swait.ge @!p0 [sflag:s0], s1  }
0xbf: {  	s1 =	ssub.s32 @!p0 $0x0, s1;
	[sflag:s0] =	ssyncset.done @!p0 $0x0  }
0xc0: {  	[sflag:s0] =	ssyncadd.s32 @!p0 s1  }
0xc1: {  	[bflag:$0x3] =	sbarrier.arrive $0xFFFF  }
0xc2: {  	_ =	shalt  }

</sc_bundles>
